<compile_context>
chip_gen: v7x
topology: tpu7x:2x2x1
jax: 0.10.2.dev20260603
libtpu: 0.0.44.dev20260713+nightly
codegen_flags: <defaults>
</compile_context>

<pallas_src>
import functools

import jax
import jax.numpy as jnp
from jax import lax
from jax.experimental import pallas as pl
from jax.experimental.pallas import tpu as pltpu
from jax.experimental.pallas import tpu_sc as plsc

L = 16
NC = 2
NS = 16
NW = NC * NS
GRID = 512
NREP = 16
PREP = (GRID + 1) * NREP
CH = 16384
NBUF = 2
UNROLL = 8


def _build_grid(cut_points, table, mul_scale):
    cp32 = cut_points.astype(jnp.float32)
    num_seg = cp32.shape[0] - 1
    tsize = table.shape[0]
    npts = (tsize - 3) // (num_seg - 2)
    cp0 = cp32[0]
    cpl = cp32[-1]
    h = (cpl - cp0) / GRID
    xg = cp0 + h * jnp.arange(GRID + 1, dtype=jnp.float32)
    ci = jnp.clip(jnp.searchsorted(cp32, xg, side="right"), 1, num_seg) - 1
    temp = (xg - cp32[ci]) * mul_scale[ci]
    idxf = jnp.floor(temp)
    dec = temp - idxf
    idxi = idxf.astype(jnp.int32)
    g = jnp.where(ci == 0, idxi, 1 + (ci - 1) * npts + idxi)
    g = jnp.clip(g, 0, tsize - 1)
    left = table[g]
    right = table[jnp.minimum(g + 1, tsize - 1)]
    val = left + dec * (right - left)
    slope = jnp.concatenate([val[1:] - val[:-1], jnp.zeros((1,), jnp.float32)])
    val16 = jnp.repeat(val, NREP)
    slope16 = jnp.repeat(slope, NREP)
    scale = GRID / (cpl - cp0)
    scalars = jnp.stack([
        cp0, cpl, scale, -cp0 * scale,
        jnp.float32(0), jnp.float32(0), jnp.float32(0), jnp.float32(0),
    ]).astype(jnp.float32)
    consts = jnp.broadcast_to(scalars[:, None], (8, L))
    return val16, slope16, consts


@functools.partial(jax.jit, static_argnums=(4,))
def _sc_lut(xf, val, slope, consts, n):
    per_w = n // NW
    nchunk = per_w // CH
    mesh = plsc.VectorSubcoreMesh(core_axis_name="c", subcore_axis_name="s")

    @functools.partial(
        pl.kernel,
        mesh=mesh,
        out_type=jax.ShapeDtypeStruct((n,), jnp.float32),
        compiler_params=pltpu.CompilerParams(needs_layout_passes=False),
        scratch_types=[
            pltpu.VMEM((NBUF, CH), jnp.float32),
            pltpu.VMEM((NBUF, CH), jnp.float32),
            pltpu.VMEM((PREP,), jnp.float32),
            pltpu.VMEM((PREP,), jnp.float32),
            pltpu.VMEM((8, L), jnp.float32),
        ] + [pltpu.SemaphoreType.DMA] * (2 * NBUF),
    )
    def body(x_hbm, p_hbm, d_hbm, c_hbm, out_hbm,
             xbuf, ybuf, pbuf, dbuf, cbuf, *sems):
        sin = sems[:NBUF]
        sout = sems[NBUF:]
        wid = lax.axis_index("s") * NC + lax.axis_index("c")
        base = wid * per_w

        pltpu.sync_copy(p_hbm, pbuf)
        pltpu.sync_copy(d_hbm, dbuf)
        pltpu.sync_copy(c_hbm, cbuf)

        cp0v = cbuf[0, :]
        cplv = cbuf[1, :]
        sclv = cbuf[2, :]
        offv = cbuf[3, :]
        iota = lax.iota(jnp.int32, L)

        for b in range(NBUF):
            pltpu.async_copy(x_hbm.at[pl.ds(base + b * CH, CH)],
                             xbuf.at[b], sin[b])

        def compute(b):
            @plsc.parallel_loop(0, CH, L, unroll=UNROLL)
            def inner(off):
                xv = xbuf[b, pl.ds(off, L)]
                xv = jnp.where(xv != xv, jnp.zeros_like(xv), xv)
                xv = jnp.minimum(jnp.maximum(xv, cp0v), cplv)
                s = xv * sclv + offv
                ki = s.astype(jnp.int32)
                dec = s - ki.astype(jnp.float32)
                kd = jnp.left_shift(ki, 4) + iota
                p = plsc.load_gather(pbuf, [kd])
                d = plsc.load_gather(dbuf, [kd])
                ybuf[b, pl.ds(off, L)] = p + dec * d

        def step(cc, carry):
            for b in range(NBUF):
                c = cc * NBUF + b
                pltpu.make_async_copy(x_hbm.at[pl.ds(0, CH)],
                                      xbuf.at[b], sin[b]).wait()

                @pl.when(c >= NBUF)
                def _wait_out():
                    pltpu.make_async_copy(ybuf.at[b],
                                          out_hbm.at[pl.ds(0, CH)],
                                          sout[b]).wait()

                compute(b)
                pltpu.async_copy(ybuf.at[b],
                                 out_hbm.at[pl.ds(base + c * CH, CH)],
                                 sout[b])

                @pl.when(c + NBUF < nchunk)
                def _prefetch():
                    pltpu.async_copy(
                        x_hbm.at[pl.ds(base + (c + NBUF) * CH, CH)],
                        xbuf.at[b], sin[b])
            return carry

        lax.fori_loop(0, nchunk // NBUF, step, 0)

        for b in range(NBUF):
            pltpu.make_async_copy(ybuf.at[b], out_hbm.at[pl.ds(0, CH)],
                                  sout[b]).wait()

    return body(xf, val, slope, consts)


def kernel(x, cut_points, table, mul_scale):
    shape = x.shape
    xf = x.reshape(-1)
    n = xf.shape[0]
    val, slope, consts = _build_grid(cut_points, table, mul_scale)
    y32 = _sc_lut(xf, val, slope, consts, n)
    return y32.astype(jnp.float16).reshape(shape)

# --- scband reference (transcript-rebuilt; emitter-appended) ---
"""Pipeline reference for scband-new-table-40896678592650 (READ-ONLY COPY).

The authoritative reference and input builder live on the scoring server;
editing this copy changes nothing except your own understanding.
"""

import jax, jax.numpy as jnp
import numpy as np

TABLE_SIZE = 259
NUM_POINTS = 32
NUM_TABLES = 10
Y_MIN = -65504.0
Y_MAX = 65504.0
CUT_POINTS = [-8.0, -6.0, -4.0, -2.0, -1.0, 0.0, 1.0, 2.0, 4.0, 6.0, 8.0]


def _build_params():
    cp16 = np.array(CUT_POINTS, dtype=np.float16)
    cp32 = cp16.astype(np.float32)
    mul_scale = np.zeros(NUM_TABLES, dtype=np.float32)
    mul_scale[0] = 1.0 / (cp32[1] - cp32[0])
    for i in range(1, 9):
        mul_scale[i] = NUM_POINTS / (cp32[i + 1] - cp32[i])
    mul_scale[-1] = 1.0 / (cp32[-1] - cp32[-2])
    index = np.zeros(TABLE_SIZE, dtype=np.float32)
    index[0] = cp32[0]
    for i in range(1, 9):
        xs = np.linspace(cp32[i], cp32[i + 1], NUM_POINTS + 1, dtype=np.float32)
        if i != 8:
            index[(i - 1) * NUM_POINTS + 1:i * NUM_POINTS + 1] = xs[:-1]
        else:
            index[(i - 1) * NUM_POINTS + 1:-1] = xs
    index[-1] = cp32[-1]
    table = 1.0 / (1.0 + np.exp(-index.astype(np.float64)))
    table = np.clip(table, Y_MIN, Y_MAX).astype(np.float32)
    return cp16, table, mul_scale


def _f16_add(a, b):
    return (a.astype(jnp.float32) + b.astype(jnp.float32)).astype(jnp.float16)


def _f16_mul(a, b):
    return (a.astype(jnp.float32) * b.astype(jnp.float32)).astype(jnp.float16)


def setup_inputs(seed: int = 0) -> dict:
    key = jax.random.key(seed)
    x = jax.random.normal(key, (16777216,), dtype=jnp.float32)
    cp16, table, mul_scale = _build_params()
    return {
        'x': x,
        'cut_points': jnp.asarray(cp16),
        'table': jnp.asarray(table),
        'mul_scale': jnp.asarray(mul_scale),
    }


def reference(x, cut_points, table, mul_scale):
    shape = x.shape
    xf = x.reshape(-1)
    cp32 = cut_points.astype(jnp.float32)
    cp0 = cp32[0]
    cpl = cp32[-1]
    xf = jnp.where(jnp.isnan(xf), 0.0, xf)
    xf = jnp.where(jnp.isneginf(xf), cp0, xf)
    xf = jnp.where(jnp.isposinf(xf), cpl, xf)
    xf = jnp.clip(xf, cp0, cpl)
    ci = jnp.searchsorted(cp32, xf, side='right')
    ci = jnp.maximum(jnp.minimum(ci, NUM_TABLES) - 1, 0)
    temp = _f16_mul(_f16_add(xf, -cp32[ci]), mul_scale[ci])
    index = jnp.floor(temp.astype(jnp.float32)).astype(jnp.int32)
    decimal = _f16_add(temp, -index.astype(jnp.float16))
    indices = jnp.where(ci == 0, index, 1 + (ci - 1) * NUM_POINTS + index)
    indices = jnp.clip(indices, 0, TABLE_SIZE - 1)
    left = table[indices]
    right = table[jnp.minimum(indices + 1, TABLE_SIZE - 1)]
    interp = (left + decimal.astype(jnp.float32) * (right - left)).astype(jnp.float16)
    y = jnp.where(decimal == jnp.float16(0), table[indices].astype(jnp.float16), interp)
    return y.reshape(shape)

if __name__ == "__main__":
    import jax
    _d = setup_inputs()
    print(jax.jit(kernel)(*tuple(_d.values())))

</pallas_src>

<mosaic_0001>
#map = affine_map<(d0, d1) -> (0)>
#map1 = affine_map<(d0, d1) -> (0, 0)>
module attributes {stable_mosaic.version = 14 : i64} {
  func.func @body(%arg0: i32, %arg1: i32, %arg2: memref<16777216xf32, #tpu.memory_space<hbm>>, %arg3: memref<8208xf32, #tpu.memory_space<hbm>>, %arg4: memref<8208xf32, #tpu.memory_space<hbm>>, %arg5: memref<8x16xf32, #tpu.memory_space<hbm>>, %arg6: memref<16777216xf32, #tpu.memory_space<hbm>>, %arg7: memref<2x16384xf32, #tpu.memory_space<vmem>>, %arg8: memref<2x16384xf32, #tpu.memory_space<vmem>>, %arg9: memref<8208xf32, #tpu.memory_space<vmem>>, %arg10: memref<8208xf32, #tpu.memory_space<vmem>>, %arg11: memref<8x16xf32, #tpu.memory_space<vmem>>, %arg12: memref<!tpu.dma_semaphore, #tpu.memory_space<semaphore_mem>>, %arg13: memref<!tpu.dma_semaphore, #tpu.memory_space<semaphore_mem>>, %arg14: memref<!tpu.dma_semaphore, #tpu.memory_space<semaphore_mem>>, %arg15: memref<!tpu.dma_semaphore, #tpu.memory_space<semaphore_mem>>) attributes {dimension_semantics = [#tpu.dimension_semantics<core_parallel>, #tpu.dimension_semantics<subcore_parallel>], iteration_bounds = array<i64: 2, 16>, scalar_prefetch = 0 : i64, scratch_operands = 9 : i64, tpu.core_type = #tpu.core_type<sc_vector_subcore>, window_params = [{transform_indices = #map}, {transform_indices = #map}, {transform_indices = #map}, {transform_indices = #map1}, {transform_indices = #map}]} {
    %mul3A = arith.constant 2 : i32
    %mul3A_0 = arith.muli %arg1, %mul3A : i32
    %add3A = arith.addi %mul3A_0, %arg0 : i32
    %mul3A_1 = arith.constant 524288 : i32
    %mul3A_2 = arith.muli %add3A, %mul3A_1 : i32
    "tpu.region"() ({
      %run_scoped3A = tpu.sem_alloc : memref<!tpu.dma_semaphore, #tpu.memory_space<semaphore_mem>>
      tpu.enqueue_dma source(%arg3 : memref<8208xf32, #tpu.memory_space<hbm>>) target(%arg9 : memref<8208xf32, #tpu.memory_space<vmem>>) target_semaphore(%run_scoped3A : memref<!tpu.dma_semaphore, #tpu.memory_space<semaphore_mem>>)
      tpu.wait_dma2 semaphore(%run_scoped3A : memref<!tpu.dma_semaphore, #tpu.memory_space<semaphore_mem>>) src(%arg3 : memref<8208xf32, #tpu.memory_space<hbm>>) dst(%arg9 : memref<8208xf32, #tpu.memory_space<vmem>>)
      tpu.yield
    }) : () -> ()
    "tpu.region"() ({
      %run_scoped3A = tpu.sem_alloc : memref<!tpu.dma_semaphore, #tpu.memory_space<semaphore_mem>>
      tpu.enqueue_dma source(%arg4 : memref<8208xf32, #tpu.memory_space<hbm>>) target(%arg10 : memref<8208xf32, #tpu.memory_space<vmem>>) target_semaphore(%run_scoped3A : memref<!tpu.dma_semaphore, #tpu.memory_space<semaphore_mem>>)
      tpu.wait_dma2 semaphore(%run_scoped3A : memref<!tpu.dma_semaphore, #tpu.memory_space<semaphore_mem>>) src(%arg4 : memref<8208xf32, #tpu.memory_space<hbm>>) dst(%arg10 : memref<8208xf32, #tpu.memory_space<vmem>>)
      tpu.yield
    }) : () -> ()
    "tpu.region"() ({
      %run_scoped3A = tpu.sem_alloc : memref<!tpu.dma_semaphore, #tpu.memory_space<semaphore_mem>>
      tpu.enqueue_dma source(%arg5 : memref<8x16xf32, #tpu.memory_space<hbm>>) target(%arg11 : memref<8x16xf32, #tpu.memory_space<vmem>>) target_semaphore(%run_scoped3A : memref<!tpu.dma_semaphore, #tpu.memory_space<semaphore_mem>>)
      tpu.wait_dma2 semaphore(%run_scoped3A : memref<!tpu.dma_semaphore, #tpu.memory_space<semaphore_mem>>) src(%arg5 : memref<8x16xf32, #tpu.memory_space<hbm>>) dst(%arg11 : memref<8x16xf32, #tpu.memory_space<vmem>>)
      tpu.yield
    }) : () -> ()
    %get3A = arith.constant 0 : i32
    %get3A_3 = arith.index_cast %get3A : i32 to index
    %get3A_4 = arith.constant 0 : index
    %get3A_5 = tpu.vector_load %arg11[%get3A_3, %get3A_4] {strides = array<i32>} : memref<8x16xf32, #tpu.memory_space<vmem>>, vector<16xf32>,
    %get3A_6 = arith.constant 1 : i32
    %get3A_7 = arith.index_cast %get3A_6 : i32 to index
    %get3A_8 = arith.constant 0 : index
    %get3A_9 = tpu.vector_load %arg11[%get3A_7, %get3A_8] {strides = array<i32>} : memref<8x16xf32, #tpu.memory_space<vmem>>, vector<16xf32>,
    %get3A_10 = arith.constant 2 : i32
    %get3A_11 = arith.index_cast %get3A_10 : i32 to index
    %get3A_12 = arith.constant 0 : index
    %get3A_13 = tpu.vector_load %arg11[%get3A_11, %get3A_12] {strides = array<i32>} : memref<8x16xf32, #tpu.memory_space<vmem>>, vector<16xf32>,
    %get3A_14 = arith.constant 3 : i32
    %get3A_15 = arith.index_cast %get3A_14 : i32 to index
    %get3A_16 = arith.constant 0 : index
    %get3A_17 = tpu.vector_load %arg11[%get3A_15, %get3A_16] {strides = array<i32>} : memref<8x16xf32, #tpu.memory_space<vmem>>, vector<16xf32>,
    %iota3A = tpu.iota {dimensions = array<i32: 0>} : vector<16xi32>
    %add3A_18 = arith.constant 0 : i32
    %add3A_19 = arith.addi %mul3A_2, %add3A_18 : i32
    %dma_start3A = arith.constant 0 : i32
    %dma_start3A_20 = arith.constant 0 : i32
    %dma_start3A_21 = tpu.memref_slice %arg7[%dma_start3A, %dma_start3A_20] : memref<2x16384xf32, #tpu.memory_space<vmem>> -> memref<1x16384xf32, #tpu.memory_space<vmem>>
    %dma_start3A_22 = tpu.memref_squeeze %dma_start3A_21 : memref<1x16384xf32, #tpu.memory_space<vmem>> -> memref<16384xf32, #tpu.memory_space<vmem>>
    %dma_start3A_23 = tpu.memref_slice %arg2[%add3A_19] : memref<16777216xf32, #tpu.memory_space<hbm>> -> memref<16384xf32, #tpu.memory_space<hbm>>
    %dma_start3A_24 = arith.constant 0 : i32
    %dma_start3A_25 = tpu.memref_slice %arg7[%dma_start3A, %dma_start3A_24] : memref<2x16384xf32, #tpu.memory_space<vmem>> -> memref<1x16384xf32, #tpu.memory_space<vmem>>
    %dma_start3A_26 = tpu.memref_squeeze %dma_start3A_25 : memref<1x16384xf32, #tpu.memory_space<vmem>> -> memref<16384xf32, #tpu.memory_space<vmem>>
    %dma_start3A_27 = tpu.memref_slice %arg2[%add3A_19] : memref<16777216xf32, #tpu.memory_space<hbm>> -> memref<16384xf32, #tpu.memory_space<hbm>>
    tpu.enqueue_dma source(%dma_start3A_27 : memref<16384xf32, #tpu.memory_space<hbm>>) target(%dma_start3A_26 : memref<16384xf32, #tpu.memory_space<vmem>>) target_semaphore(%arg12 : memref<!tpu.dma_semaphore, #tpu.memory_space<semaphore_mem>>)
    %add3A_28 = arith.constant 16384 : i32
    %add3A_29 = arith.addi %mul3A_2, %add3A_28 : i32
    %dma_start3A_30 = arith.constant 1 : i32
    %dma_start3A_31 = arith.constant 0 : i32
    %dma_start3A_32 = tpu.memref_slice %arg7[%dma_start3A_30, %dma_start3A_31] : memref<2x16384xf32, #tpu.memory_space<vmem>> -> memref<1x16384xf32, #tpu.memory_space<vmem>>
    %dma_start3A_33 = tpu.memref_squeeze %dma_start3A_32 : memref<1x16384xf32, #tpu.memory_space<vmem>> -> memref<16384xf32, #tpu.memory_space<vmem>>
    %dma_start3A_34 = tpu.memref_slice %arg2[%add3A_29] : memref<16777216xf32, #tpu.memory_space<hbm>> -> memref<16384xf32, #tpu.memory_space<hbm>>
    %dma_start3A_35 = arith.constant 0 : i32
    %dma_start3A_36 = tpu.memref_slice %arg7[%dma_start3A_30, %dma_start3A_35] : memref<2x16384xf32, #tpu.memory_space<vmem>> -> memref<1x16384xf32, #tpu.memory_space<vmem>>
    %dma_start3A_37 = tpu.memref_squeeze %dma_start3A_36 : memref<1x16384xf32, #tpu.memory_space<vmem>> -> memref<16384xf32, #tpu.memory_space<vmem>>
    %dma_start3A_38 = tpu.memref_slice %arg2[%add3A_29] : memref<16777216xf32, #tpu.memory_space<hbm>> -> memref<16384xf32, #tpu.memory_space<hbm>>
    tpu.enqueue_dma source(%dma_start3A_38 : memref<16384xf32, #tpu.memory_space<hbm>>) target(%dma_start3A_37 : memref<16384xf32, #tpu.memory_space<vmem>>) target_semaphore(%arg13 : memref<!tpu.dma_semaphore, #tpu.memory_space<semaphore_mem>>)
    %scan3A = arith.constant 0 : i32
    %scan3A_39 = arith.constant 0 : i32
    %scan3A_40 = arith.constant 16 : i32
    %scan3A_41 = arith.addi %scan3A_39, %scan3A_40 : i32
    %scan3A_42 = arith.constant 1 : i32
    scf.for %scan3A_65 = %scan3A_39 to %scan3A_41 step %scan3A_42  : i32 {
      %mul3A_66 = arith.constant 2 : i32
      %mul3A_67 = arith.muli %scan3A_65, %mul3A_66 : i32
      %add3A_68 = arith.constant 0 : i32
      %add3A_69 = arith.addi %mul3A_67, %add3A_68 : i32
      %dma_wait3A_70 = arith.constant 0 : i32
      %dma_wait3A_71 = arith.constant 0 : i32
      %dma_wait3A_72 = tpu.memref_slice %arg7[%dma_wait3A_70, %dma_wait3A_71] : memref<2x16384xf32, #tpu.memory_space<vmem>> -> memref<1x16384xf32, #tpu.memory_space<vmem>>
      %dma_wait3A_73 = tpu.memref_squeeze %dma_wait3A_72 : memref<1x16384xf32, #tpu.memory_space<vmem>> -> memref<16384xf32, #tpu.memory_space<vmem>>
      %dma_wait3A_74 = arith.constant 0 : i32
      %dma_wait3A_75 = tpu.memref_slice %arg2[%dma_wait3A_74] : memref<16777216xf32, #tpu.memory_space<hbm>> -> memref<16384xf32, #tpu.memory_space<hbm>>
      %dma_wait3A_76 = arith.constant 0 : i32
      %dma_wait3A_77 = tpu.memref_slice %arg7[%dma_wait3A_70, %dma_wait3A_76] : memref<2x16384xf32, #tpu.memory_space<vmem>> -> memref<1x16384xf32, #tpu.memory_space<vmem>>
      %dma_wait3A_78 = tpu.memref_squeeze %dma_wait3A_77 : memref<1x16384xf32, #tpu.memory_space<vmem>> -> memref<16384xf32, #tpu.memory_space<vmem>>
      %dma_wait3A_79 = arith.constant 0 : i32
      %dma_wait3A_80 = tpu.memref_slice %arg2[%dma_wait3A_79] : memref<16777216xf32, #tpu.memory_space<hbm>> -> memref<16384xf32, #tpu.memory_space<hbm>>
      tpu.wait_dma2 semaphore(%arg12 : memref<!tpu.dma_semaphore, #tpu.memory_space<semaphore_mem>>) src(%dma_wait3A_80 : memref<16384xf32, #tpu.memory_space<hbm>>) dst(%dma_wait3A_78 : memref<16384xf32, #tpu.memory_space<vmem>>)
      %ge3A = arith.constant 2 : i32
      %ge3A_81 = arith.cmpi sge, %add3A_69, %ge3A : i32
      %convert_element_type3A = arith.extui %ge3A_81 : i1 to i32
      %cond3A = arith.constant 0 : i32
      %cond3A_82 = arith.cmpi ne, %convert_element_type3A, %cond3A : i32
      scf.if %cond3A_82 {
        %dma_wait3A_145 = arith.constant 0 : i32
        %dma_wait3A_146 = arith.constant 0 : i32
        %dma_wait3A_147 = tpu.memref_slice %arg8[%dma_wait3A_145, %dma_wait3A_146] : memref<2x16384xf32, #tpu.memory_space<vmem>> -> memref<1x16384xf32, #tpu.memory_space<vmem>>
        %dma_wait3A_148 = tpu.memref_squeeze %dma_wait3A_147 : memref<1x16384xf32, #tpu.memory_space<vmem>> -> memref<16384xf32, #tpu.memory_space<vmem>>
        %dma_wait3A_149 = arith.constant 0 : i32
        %dma_wait3A_150 = tpu.memref_slice %arg6[%dma_wait3A_149] : memref<16777216xf32, #tpu.memory_space<hbm>> -> memref<16384xf32, #tpu.memory_space<hbm>>
        %dma_wait3A_151 = arith.constant 0 : i32
        %dma_wait3A_152 = tpu.memref_slice %arg6[%dma_wait3A_151] : memref<16777216xf32, #tpu.memory_space<hbm>> -> memref<16384xf32, #tpu.memory_space<hbm>>
        %dma_wait3A_153 = arith.constant 0 : i32
        %dma_wait3A_154 = tpu.memref_slice %arg8[%dma_wait3A_145, %dma_wait3A_153] : memref<2x16384xf32, #tpu.memory_space<vmem>> -> memref<1x16384xf32, #tpu.memory_space<vmem>>
        %dma_wait3A_155 = tpu.memref_squeeze %dma_wait3A_154 : memref<1x16384xf32, #tpu.memory_space<vmem>> -> memref<16384xf32, #tpu.memory_space<vmem>>
        tpu.wait_dma2 semaphore(%arg14 : memref<!tpu.dma_semaphore, #tpu.memory_space<semaphore_mem>>) src(%dma_wait3A_155 : memref<16384xf32, #tpu.memory_space<vmem>>) dst(%dma_wait3A_152 : memref<16384xf32, #tpu.memory_space<hbm>>)
      } else {
      }
      %parallel_loop3A = arith.constant 0 : i32
      %parallel_loop3A_83 = arith.constant 16384 : i32
      %parallel_loop3A_84 = arith.constant 16 : i32
      scf.for %parallel_loop3A_145 = %parallel_loop3A to %parallel_loop3A_83 step %parallel_loop3A_84  : i32 {
        %parallel_loop3A_146 = arith.constant 0 : i32
        %parallel_loop3A_147 = arith.index_cast %parallel_loop3A_146 : i32 to index
        %parallel_loop3A_148 = arith.index_cast %parallel_loop3A_145 : i32 to index
        %parallel_loop3A_149 = tpu.vector_load %arg7[%parallel_loop3A_147, %parallel_loop3A_148] {strides = array<i32>} : memref<2x16384xf32, #tpu.memory_space<vmem>>, vector<16xf32>,
        %parallel_loop3A_150 = arith.cmpf one, %parallel_loop3A_149, %parallel_loop3A_149 : vector<16xf32>
        %parallel_loop3A_151 = arith.constant 0.000000e+00 : f32
        %parallel_loop3A_152 = vector.broadcast %parallel_loop3A_151 : f32 to vector<16xf32>
        %parallel_loop3A_153 = arith.select %parallel_loop3A_150, %parallel_loop3A_152, %parallel_loop3A_149 : vector<16xi1>, vector<16xf32>
        %parallel_loop3A_154 = arith.maximumf %parallel_loop3A_153, %get3A_5 : vector<16xf32>
        %parallel_loop3A_155 = arith.minimumf %parallel_loop3A_154, %get3A_9 : vector<16xf32>
        %parallel_loop3A_156 = arith.mulf %parallel_loop3A_155, %get3A_13 : vector<16xf32>
        %parallel_loop3A_157 = arith.addf %parallel_loop3A_156, %get3A_17 : vector<16xf32>
        %parallel_loop3A_158 = arith.fptosi %parallel_loop3A_157 : vector<16xf32> to vector<16xi32>
        %parallel_loop3A_159 = arith.sitofp %parallel_loop3A_158 : vector<16xi32> to vector<16xf32>
        %parallel_loop3A_160 = arith.subf %parallel_loop3A_157, %parallel_loop3A_159 : vector<16xf32>
        %parallel_loop3A_161 = arith.constant 4 : i32
        %parallel_loop3A_162 = vector.broadcast %parallel_loop3A_161 : i32 to vector<16xi32>
        %parallel_loop3A_163 = arith.shli %parallel_loop3A_158, %parallel_loop3A_162 : vector<16xi32>
        %parallel_loop3A_164 = arith.addi %parallel_loop3A_163, %iota3A : vector<16xi32>
        %parallel_loop3A_165 = tpu.vector_load_idx %arg9[%parallel_loop3A_164] : memref<8208xf32, #tpu.memory_space<vmem>>[vector<16xi32>], vector<16xf32>,
        %parallel_loop3A_166 = tpu.vector_load_idx %arg10[%parallel_loop3A_164] : memref<8208xf32, #tpu.memory_space<vmem>>[vector<16xi32>], vector<16xf32>,
        %parallel_loop3A_167 = arith.mulf %parallel_loop3A_160, %parallel_loop3A_166 : vector<16xf32>
        %parallel_loop3A_168 = arith.addf %parallel_loop3A_165, %parallel_loop3A_167 : vector<16xf32>
        %parallel_loop3A_169 = arith.constant 0 : i32
        %parallel_loop3A_170 = arith.index_cast %parallel_loop3A_169 : i32 to index
        %parallel_loop3A_171 = arith.index_cast %parallel_loop3A_145 : i32 to index
        %parallel_loop3A_172 = tpu.vector_load %arg8[%parallel_loop3A_170, %parallel_loop3A_171] {strides = array<i32>} : memref<2x16384xf32, #tpu.memory_space<vmem>>, vector<16xf32>,
        tpu.vector_store %arg8[%parallel_loop3A_170, %parallel_loop3A_171], %parallel_loop3A_168 {strides = array<i32>} : memref<2x16384xf32, #tpu.memory_space<vmem>>, vector<16xf32>,
      } {sc.loop_unroll_factor = 8 : i64, sc.parallel_access}
      %mul3A_85 = arith.constant 16384 : i32
      %mul3A_86 = arith.muli %add3A_69, %mul3A_85 : i32
      %add3A_87 = arith.addi %mul3A_2, %mul3A_86 : i32
      %dma_start3A_88 = arith.constant 0 : i32
      %dma_start3A_89 = arith.constant 0 : i32
      %dma_start3A_90 = tpu.memref_slice %arg8[%dma_start3A_88, %dma_start3A_89] : memref<2x16384xf32, #tpu.memory_space<vmem>> -> memref<1x16384xf32, #tpu.memory_space<vmem>>
      %dma_start3A_91 = tpu.memref_squeeze %dma_start3A_90 : memref<1x16384xf32, #tpu.memory_space<vmem>> -> memref<16384xf32, #tpu.memory_space<vmem>>
      %dma_start3A_92 = tpu.memref_slice %arg6[%add3A_87] : memref<16777216xf32, #tpu.memory_space<hbm>> -> memref<16384xf32, #tpu.memory_space<hbm>>
      %dma_start3A_93 = tpu.memref_slice %arg6[%add3A_87] : memref<16777216xf32, #tpu.memory_space<hbm>> -> memref<16384xf32, #tpu.memory_space<hbm>>
      %dma_start3A_94 = arith.constant 0 : i32
      %dma_start3A_95 = tpu.memref_slice %arg8[%dma_start3A_88, %dma_start3A_94] : memref<2x16384xf32, #tpu.memory_space<vmem>> -> memref<1x16384xf32, #tpu.memory_space<vmem>>
      %dma_start3A_96 = tpu.memref_squeeze %dma_start3A_95 : memref<1x16384xf32, #tpu.memory_space<vmem>> -> memref<16384xf32, #tpu.memory_space<vmem>>
      tpu.enqueue_dma source(%dma_start3A_96 : memref<16384xf32, #tpu.memory_space<vmem>>) target(%dma_start3A_93 : memref<16384xf32, #tpu.memory_space<hbm>>) target_semaphore(%arg14 : memref<!tpu.dma_semaphore, #tpu.memory_space<semaphore_mem>>)
      %add3A_97 = arith.constant 2 : i32
      %add3A_98 = arith.addi %add3A_69, %add3A_97 : i32
      %lt3A = arith.constant 32 : i32
      %lt3A_99 = arith.cmpi slt, %add3A_98, %lt3A : i32
      %convert_element_type3A_100 = arith.extui %lt3A_99 : i1 to i32
      %cond3A_101 = arith.constant 0 : i32
      %cond3A_102 = arith.cmpi ne, %convert_element_type3A_100, %cond3A_101 : i32
      scf.if %cond3A_102 {
        %add3A_145 = arith.constant 2 : i32
        %add3A_146 = arith.addi %add3A_69, %add3A_145 : i32
        %mul3A_147 = arith.constant 16384 : i32
        %mul3A_148 = arith.muli %add3A_146, %mul3A_147 : i32
        %add3A_149 = arith.addi %mul3A_2, %mul3A_148 : i32
        %dma_start3A_150 = arith.constant 0 : i32
        %dma_start3A_151 = arith.constant 0 : i32
        %dma_start3A_152 = tpu.memref_slice %arg7[%dma_start3A_150, %dma_start3A_151] : memref<2x16384xf32, #tpu.memory_space<vmem>> -> memref<1x16384xf32, #tpu.memory_space<vmem>>
        %dma_start3A_153 = tpu.memref_squeeze %dma_start3A_152 : memref<1x16384xf32, #tpu.memory_space<vmem>> -> memref<16384xf32, #tpu.memory_space<vmem>>
        %dma_start3A_154 = tpu.memref_slice %arg2[%add3A_149] : memref<16777216xf32, #tpu.memory_space<hbm>> -> memref<16384xf32, #tpu.memory_space<hbm>>
        %dma_start3A_155 = arith.constant 0 : i32
        %dma_start3A_156 = tpu.memref_slice %arg7[%dma_start3A_150, %dma_start3A_155] : memref<2x16384xf32, #tpu.memory_space<vmem>> -> memref<1x16384xf32, #tpu.memory_space<vmem>>
        %dma_start3A_157 = tpu.memref_squeeze %dma_start3A_156 : memref<1x16384xf32, #tpu.memory_space<vmem>> -> memref<16384xf32, #tpu.memory_space<vmem>>
        %dma_start3A_158 = tpu.memref_slice %arg2[%add3A_149] : memref<16777216xf32, #tpu.memory_space<hbm>> -> memref<16384xf32, #tpu.memory_space<hbm>>
        tpu.enqueue_dma source(%dma_start3A_158 : memref<16384xf32, #tpu.memory_space<hbm>>) target(%dma_start3A_157 : memref<16384xf32, #tpu.memory_space<vmem>>) target_semaphore(%arg12 : memref<!tpu.dma_semaphore, #tpu.memory_space<semaphore_mem>>)
      } else {
      }
      %mul3A_103 = arith.constant 2 : i32
      %mul3A_104 = arith.muli %scan3A_65, %mul3A_103 : i32
      %add3A_105 = arith.constant 1 : i32
      %add3A_106 = arith.addi %mul3A_104, %add3A_105 : i32
      %dma_wait3A_107 = arith.constant 1 : i32
      %dma_wait3A_108 = arith.constant 0 : i32
      %dma_wait3A_109 = tpu.memref_slice %arg7[%dma_wait3A_107, %dma_wait3A_108] : memref<2x16384xf32, #tpu.memory_space<vmem>> -> memref<1x16384xf32, #tpu.memory_space<vmem>>
      %dma_wait3A_110 = tpu.memref_squeeze %dma_wait3A_109 : memref<1x16384xf32, #tpu.memory_space<vmem>> -> memref<16384xf32, #tpu.memory_space<vmem>>
      %dma_wait3A_111 = arith.constant 0 : i32
      %dma_wait3A_112 = tpu.memref_slice %arg2[%dma_wait3A_111] : memref<16777216xf32, #tpu.memory_space<hbm>> -> memref<16384xf32, #tpu.memory_space<hbm>>
      %dma_wait3A_113 = arith.constant 0 : i32
      %dma_wait3A_114 = tpu.memref_slice %arg7[%dma_wait3A_107, %dma_wait3A_113] : memref<2x16384xf32, #tpu.memory_space<vmem>> -> memref<1x16384xf32, #tpu.memory_space<vmem>>
      %dma_wait3A_115 = tpu.memref_squeeze %dma_wait3A_114 : memref<1x16384xf32, #tpu.memory_space<vmem>> -> memref<16384xf32, #tpu.memory_space<vmem>>
      %dma_wait3A_116 = arith.constant 0 : i32
      %dma_wait3A_117 = tpu.memref_slice %arg2[%dma_wait3A_116] : memref<16777216xf32, #tpu.memory_space<hbm>> -> memref<16384xf32, #tpu.memory_space<hbm>>
      tpu.wait_dma2 semaphore(%arg13 : memref<!tpu.dma_semaphore, #tpu.memory_space<semaphore_mem>>) src(%dma_wait3A_117 : memref<16384xf32, #tpu.memory_space<hbm>>) dst(%dma_wait3A_115 : memref<16384xf32, #tpu.memory_space<vmem>>)
      %ge3A_118 = arith.constant 2 : i32
      %ge3A_119 = arith.cmpi sge, %add3A_106, %ge3A_118 : i32
      %convert_element_type3A_120 = arith.extui %ge3A_119 : i1 to i32
      %cond3A_121 = arith.constant 0 : i32
      %cond3A_122 = arith.cmpi ne, %convert_element_type3A_120, %cond3A_121 : i32
      scf.if %cond3A_122 {
        %dma_wait3A_145 = arith.constant 1 : i32
        %dma_wait3A_146 = arith.constant 0 : i32
        %dma_wait3A_147 = tpu.memref_slice %arg8[%dma_wait3A_145, %dma_wait3A_146] : memref<2x16384xf32, #tpu.memory_space<vmem>> -> memref<1x16384xf32, #tpu.memory_space<vmem>>
        %dma_wait3A_148 = tpu.memref_squeeze %dma_wait3A_147 : memref<1x16384xf32, #tpu.memory_space<vmem>> -> memref<16384xf32, #tpu.memory_space<vmem>>
        %dma_wait3A_149 = arith.constant 0 : i32
        %dma_wait3A_150 = tpu.memref_slice %arg6[%dma_wait3A_149] : memref<16777216xf32, #tpu.memory_space<hbm>> -> memref<16384xf32, #tpu.memory_space<hbm>>
        %dma_wait3A_151 = arith.constant 0 : i32
        %dma_wait3A_152 = tpu.memref_slice %arg6[%dma_wait3A_151] : memref<16777216xf32, #tpu.memory_space<hbm>> -> memref<16384xf32, #tpu.memory_space<hbm>>
        %dma_wait3A_153 = arith.constant 0 : i32
        %dma_wait3A_154 = tpu.memref_slice %arg8[%dma_wait3A_145, %dma_wait3A_153] : memref<2x16384xf32, #tpu.memory_space<vmem>> -> memref<1x16384xf32, #tpu.memory_space<vmem>>
        %dma_wait3A_155 = tpu.memref_squeeze %dma_wait3A_154 : memref<1x16384xf32, #tpu.memory_space<vmem>> -> memref<16384xf32, #tpu.memory_space<vmem>>
        tpu.wait_dma2 semaphore(%arg15 : memref<!tpu.dma_semaphore, #tpu.memory_space<semaphore_mem>>) src(%dma_wait3A_155 : memref<16384xf32, #tpu.memory_space<vmem>>) dst(%dma_wait3A_152 : memref<16384xf32, #tpu.memory_space<hbm>>)
      } else {
      }
      %parallel_loop3A_123 = arith.constant 0 : i32
      %parallel_loop3A_124 = arith.constant 16384 : i32
      %parallel_loop3A_125 = arith.constant 16 : i32
      scf.for %parallel_loop3A_145 = %parallel_loop3A_123 to %parallel_loop3A_124 step %parallel_loop3A_125  : i32 {
        %parallel_loop3A_146 = arith.constant 1 : i32
        %parallel_loop3A_147 = arith.index_cast %parallel_loop3A_146 : i32 to index
        %parallel_loop3A_148 = arith.index_cast %parallel_loop3A_145 : i32 to index
        %parallel_loop3A_149 = tpu.vector_load %arg7[%parallel_loop3A_147, %parallel_loop3A_148] {strides = array<i32>} : memref<2x16384xf32, #tpu.memory_space<vmem>>, vector<16xf32>,
        %parallel_loop3A_150 = arith.cmpf one, %parallel_loop3A_149, %parallel_loop3A_149 : vector<16xf32>
        %parallel_loop3A_151 = arith.constant 0.000000e+00 : f32
        %parallel_loop3A_152 = vector.broadcast %parallel_loop3A_151 : f32 to vector<16xf32>
        %parallel_loop3A_153 = arith.select %parallel_loop3A_150, %parallel_loop3A_152, %parallel_loop3A_149 : vector<16xi1>, vector<16xf32>
        %parallel_loop3A_154 = arith.maximumf %parallel_loop3A_153, %get3A_5 : vector<16xf32>
        %parallel_loop3A_155 = arith.minimumf %parallel_loop3A_154, %get3A_9 : vector<16xf32>
        %parallel_loop3A_156 = arith.mulf %parallel_loop3A_155, %get3A_13 : vector<16xf32>
        %parallel_loop3A_157 = arith.addf %parallel_loop3A_156, %get3A_17 : vector<16xf32>
        %parallel_loop3A_158 = arith.fptosi %parallel_loop3A_157 : vector<16xf32> to vector<16xi32>
        %parallel_loop3A_159 = arith.sitofp %parallel_loop3A_158 : vector<16xi32> to vector<16xf32>
        %parallel_loop3A_160 = arith.subf %parallel_loop3A_157, %parallel_loop3A_159 : vector<16xf32>
        %parallel_loop3A_161 = arith.constant 4 : i32
        %parallel_loop3A_162 = vector.broadcast %parallel_loop3A_161 : i32 to vector<16xi32>
        %parallel_loop3A_163 = arith.shli %parallel_loop3A_158, %parallel_loop3A_162 : vector<16xi32>
        %parallel_loop3A_164 = arith.addi %parallel_loop3A_163, %iota3A : vector<16xi32>
        %parallel_loop3A_165 = tpu.vector_load_idx %arg9[%parallel_loop3A_164] : memref<8208xf32, #tpu.memory_space<vmem>>[vector<16xi32>], vector<16xf32>,
        %parallel_loop3A_166 = tpu.vector_load_idx %arg10[%parallel_loop3A_164] : memref<8208xf32, #tpu.memory_space<vmem>>[vector<16xi32>], vector<16xf32>,
        %parallel_loop3A_167 = arith.mulf %parallel_loop3A_160, %parallel_loop3A_166 : vector<16xf32>
        %parallel_loop3A_168 = arith.addf %parallel_loop3A_165, %parallel_loop3A_167 : vector<16xf32>
        %parallel_loop3A_169 = arith.constant 1 : i32
        %parallel_loop3A_170 = arith.index_cast %parallel_loop3A_169 : i32 to index
        %parallel_loop3A_171 = arith.index_cast %parallel_loop3A_145 : i32 to index
        %parallel_loop3A_172 = tpu.vector_load %arg8[%parallel_loop3A_170, %parallel_loop3A_171] {strides = array<i32>} : memref<2x16384xf32, #tpu.memory_space<vmem>>, vector<16xf32>,
        tpu.vector_store %arg8[%parallel_loop3A_170, %parallel_loop3A_171], %parallel_loop3A_168 {strides = array<i32>} : memref<2x16384xf32, #tpu.memory_space<vmem>>, vector<16xf32>,
      } {sc.loop_unroll_factor = 8 : i64, sc.parallel_access}
      %mul3A_126 = arith.constant 16384 : i32
      %mul3A_127 = arith.muli %add3A_106, %mul3A_126 : i32
      %add3A_128 = arith.addi %mul3A_2, %mul3A_127 : i32
      %dma_start3A_129 = arith.constant 1 : i32
      %dma_start3A_130 = arith.constant 0 : i32
      %dma_start3A_131 = tpu.memref_slice %arg8[%dma_start3A_129, %dma_start3A_130] : memref<2x16384xf32, #tpu.memory_space<vmem>> -> memref<1x16384xf32, #tpu.memory_space<vmem>>
      %dma_start3A_132 = tpu.memref_squeeze %dma_start3A_131 : memref<1x16384xf32, #tpu.memory_space<vmem>> -> memref<16384xf32, #tpu.memory_space<vmem>>
      %dma_start3A_133 = tpu.memref_slice %arg6[%add3A_128] : memref<16777216xf32, #tpu.memory_space<hbm>> -> memref<16384xf32, #tpu.memory_space<hbm>>
      %dma_start3A_134 = tpu.memref_slice %arg6[%add3A_128] : memref<16777216xf32, #tpu.memory_space<hbm>> -> memref<16384xf32, #tpu.memory_space<hbm>>
      %dma_start3A_135 = arith.constant 0 : i32
      %dma_start3A_136 = tpu.memref_slice %arg8[%dma_start3A_129, %dma_start3A_135] : memref<2x16384xf32, #tpu.memory_space<vmem>> -> memref<1x16384xf32, #tpu.memory_space<vmem>>
      %dma_start3A_137 = tpu.memref_squeeze %dma_start3A_136 : memref<1x16384xf32, #tpu.memory_space<vmem>> -> memref<16384xf32, #tpu.memory_space<vmem>>
      tpu.enqueue_dma source(%dma_start3A_137 : memref<16384xf32, #tpu.memory_space<vmem>>) target(%dma_start3A_134 : memref<16384xf32, #tpu.memory_space<hbm>>) target_semaphore(%arg15 : memref<!tpu.dma_semaphore, #tpu.memory_space<semaphore_mem>>)
      %add3A_138 = arith.constant 2 : i32
      %add3A_139 = arith.addi %add3A_106, %add3A_138 : i32
      %lt3A_140 = arith.constant 32 : i32
      %lt3A_141 = arith.cmpi slt, %add3A_139, %lt3A_140 : i32
      %convert_element_type3A_142 = arith.extui %lt3A_141 : i1 to i32
      %cond3A_143 = arith.constant 0 : i32
      %cond3A_144 = arith.cmpi ne, %convert_element_type3A_142, %cond3A_143 : i32
      scf.if %cond3A_144 {
        %add3A_145 = arith.constant 2 : i32
        %add3A_146 = arith.addi %add3A_106, %add3A_145 : i32
        %mul3A_147 = arith.constant 16384 : i32
        %mul3A_148 = arith.muli %add3A_146, %mul3A_147 : i32
        %add3A_149 = arith.addi %mul3A_2, %mul3A_148 : i32
        %dma_start3A_150 = arith.constant 1 : i32
        %dma_start3A_151 = arith.constant 0 : i32
        %dma_start3A_152 = tpu.memref_slice %arg7[%dma_start3A_150, %dma_start3A_151] : memref<2x16384xf32, #tpu.memory_space<vmem>> -> memref<1x16384xf32, #tpu.memory_space<vmem>>
        %dma_start3A_153 = tpu.memref_squeeze %dma_start3A_152 : memref<1x16384xf32, #tpu.memory_space<vmem>> -> memref<16384xf32, #tpu.memory_space<vmem>>
        %dma_start3A_154 = tpu.memref_slice %arg2[%add3A_149] : memref<16777216xf32, #tpu.memory_space<hbm>> -> memref<16384xf32, #tpu.memory_space<hbm>>
        %dma_start3A_155 = arith.constant 0 : i32
        %dma_start3A_156 = tpu.memref_slice %arg7[%dma_start3A_150, %dma_start3A_155] : memref<2x16384xf32, #tpu.memory_space<vmem>> -> memref<1x16384xf32, #tpu.memory_space<vmem>>
        %dma_start3A_157 = tpu.memref_squeeze %dma_start3A_156 : memref<1x16384xf32, #tpu.memory_space<vmem>> -> memref<16384xf32, #tpu.memory_space<vmem>>
        %dma_start3A_158 = tpu.memref_slice %arg2[%add3A_149] : memref<16777216xf32, #tpu.memory_space<hbm>> -> memref<16384xf32, #tpu.memory_space<hbm>>
        tpu.enqueue_dma source(%dma_start3A_158 : memref<16384xf32, #tpu.memory_space<hbm>>) target(%dma_start3A_157 : memref<16384xf32, #tpu.memory_space<vmem>>) target_semaphore(%arg13 : memref<!tpu.dma_semaphore, #tpu.memory_space<semaphore_mem>>)
      } else {
      }
    }
    %scan3A_43 = arith.constant 16 : i32
    %dma_wait3A = arith.constant 0 : i32
    %dma_wait3A_44 = arith.constant 0 : i32
    %dma_wait3A_45 = tpu.memref_slice %arg8[%dma_wait3A, %dma_wait3A_44] : memref<2x16384xf32, #tpu.memory_space<vmem>> -> memref<1x16384xf32, #tpu.memory_space<vmem>>
    %dma_wait3A_46 = tpu.memref_squeeze %dma_wait3A_45 : memref<1x16384xf32, #tpu.memory_space<vmem>> -> memref<16384xf32, #tpu.memory_space<vmem>>
    %dma_wait3A_47 = arith.constant 0 : i32
    %dma_wait3A_48 = tpu.memref_slice %arg6[%dma_wait3A_47] : memref<16777216xf32, #tpu.memory_space<hbm>> -> memref<16384xf32, #tpu.memory_space<hbm>>
    %dma_wait3A_49 = arith.constant 0 : i32
    %dma_wait3A_50 = tpu.memref_slice %arg6[%dma_wait3A_49] : memref<16777216xf32, #tpu.memory_space<hbm>> -> memref<16384xf32, #tpu.memory_space<hbm>>
    %dma_wait3A_51 = arith.constant 0 : i32
    %dma_wait3A_52 = tpu.memref_slice %arg8[%dma_wait3A, %dma_wait3A_51] : memref<2x16384xf32, #tpu.memory_space<vmem>> -> memref<1x16384xf32, #tpu.memory_space<vmem>>
    %dma_wait3A_53 = tpu.memref_squeeze %dma_wait3A_52 : memref<1x16384xf32, #tpu.memory_space<vmem>> -> memref<16384xf32, #tpu.memory_space<vmem>>
    tpu.wait_dma2 semaphore(%arg14 : memref<!tpu.dma_semaphore, #tpu.memory_space<semaphore_mem>>) src(%dma_wait3A_53 : memref<16384xf32, #tpu.memory_space<vmem>>) dst(%dma_wait3A_50 : memref<16384xf32, #tpu.memory_space<hbm>>)
    %dma_wait3A_54 = arith.constant 1 : i32
    %dma_wait3A_55 = arith.constant 0 : i32
    %dma_wait3A_56 = tpu.memref_slice %arg8[%dma_wait3A_54, %dma_wait3A_55] : memref<2x16384xf32, #tpu.memory_space<vmem>> -> memref<1x16384xf32, #tpu.memory_space<vmem>>
    %dma_wait3A_57 = tpu.memref_squeeze %dma_wait3A_56 : memref<1x16384xf32, #tpu.memory_space<vmem>> -> memref<16384xf32, #tpu.memory_space<vmem>>
    %dma_wait3A_58 = arith.constant 0 : i32
    %dma_wait3A_59 = tpu.memref_slice %arg6[%dma_wait3A_58] : memref<16777216xf32, #tpu.memory_space<hbm>> -> memref<16384xf32, #tpu.memory_space<hbm>>
    %dma_wait3A_60 = arith.constant 0 : i32
    %dma_wait3A_61 = tpu.memref_slice %arg6[%dma_wait3A_60] : memref<16777216xf32, #tpu.memory_space<hbm>> -> memref<16384xf32, #tpu.memory_space<hbm>>
    %dma_wait3A_62 = arith.constant 0 : i32
    %dma_wait3A_63 = tpu.memref_slice %arg8[%dma_wait3A_54, %dma_wait3A_62] : memref<2x16384xf32, #tpu.memory_space<vmem>> -> memref<1x16384xf32, #tpu.memory_space<vmem>>
    %dma_wait3A_64 = tpu.memref_squeeze %dma_wait3A_63 : memref<1x16384xf32, #tpu.memory_space<vmem>> -> memref<16384xf32, #tpu.memory_space<vmem>>
    tpu.wait_dma2 semaphore(%arg15 : memref<!tpu.dma_semaphore, #tpu.memory_space<semaphore_mem>>) src(%dma_wait3A_64 : memref<16384xf32, #tpu.memory_space<vmem>>) dst(%dma_wait3A_61 : memref<16384xf32, #tpu.memory_space<hbm>>)
    return
  }
}

</mosaic_0001>

<sc_bundles>
// kernel: _sc_lut.3.cloned.1.call-start
scs
__scs_entry_jumppad:
0x0: {  	(pc) =	sbr.rel $0x88, $3  }
0x1: {  	(tag) =	ssettag $0x0;
	lr =	simm.s32 $0x1  }
0x2: {  	[smem:$0x3F9D] =	sst lr;
	_ =	strace $0xD0000000  }
0x3: {  	_ = 	snop  }
0x4: {  	_ = 	snop  }
0x5: {  	_ = 	snop  }
0x6: {  	_ = 	snop  }
0x7: {  	_ = 	snop  }
__scs_overlays_trampoline_lowered:
0x8: {  	[smem:$0x3FAC] =	sst s0  }
0x9: {  	[smem:$0x3FAD] =	sst s1  }
0xa: {  	[smem:$0x3FAE] =	sst s2  }
0xb: {  	[smem:$0x3FAF] =	sst s3  }
0xc: {  	[smem:$0x3FB0] =	sst s4  }
0xd: {  	[smem:$0x3FB1] =	sst s5  }
0xe: {  	[smem:$0x3FB2] =	sst s6  }
0xf: {  	[smem:$0x3FB3] =	sst s7  }
0x10: {  	[smem:$0x3FB4] =	sst s8  }
0x11: {  	[smem:$0x3FB5] =	sst s9;
	s0 =	simm.s32 @!p0 $0x0  }
0x12: {  	s1 =	sld [smem:$0x3F9B];
	s0 =	simm.s32 @p0 $0x1  }
0x13: {  	[smem:$0x3FB6] =	sst s0;
	s0 =	simm.s32 @!p1 $0x0  }
0x14: {  	s2 =	sld [smem:$0x3F9A];
	s0 =	simm.s32 @p1 $0x1  }
0x15: {  	[smem:$0x3FB7] =	sst s0;
	s0 =	simm.s32 @!p2 $0x0  }
0x16: {  	s3 =	sld [smem:$0x3FDB];
	s0 =	simm.s32 @p2 $0x1  }
0x17: {  	s4 =	simm.s32 $0x1BF5;
	[smem:$0x3FB9] =	sst s0  }
0x18: {  	s0 =	sld [smem:$0x3F9C];
	_ =	swait.ge [sflag:s4], $0x0  }
0x19: {  	s7 =	sld [smem:$0x3F9D]  }
0x1a: {  	s8 =	sadd.s32 $0xFFFFE003, lr  }
0x1b: {  	s9 =	sadd.s32 $0xFFFFFEF7, lr;
	s5 =	simm.s32 $0xFFFFFFFF;
	p2 =	slt.u32 s8, $0xFFFFF086  }
0x1c: {  	p1 =	slt.u32 s9, $0xF7A;
	s5 =	simm.s32 @!p2 $0x0  }
0x1d: {  	s5 =	simm.s32 @p1 $0x1;
	p0 =	seq.s32 s7, s2  }
0x1e: {  	s7 =	smul.u32 @!p0 $0xF7A, s2;
	p2 =	seq.s32 @!p0 s5, $0x0  }
0x1f: {  	s9 =	smul.u32 $0xF7A, s1;
	s8 =	simm.s32 @!p0 $0x1BF5;
	p2 =	por !p2, p0  }
0x20: {  	[sflag:s8] =	ssyncset.s32 @!p0 $0xFFFFF086;
	s6 =	sadd.s32 @!p0 s3, s7;
	s7 =	simm.s32 @!p0 $0x108  }
0x21: {  	s3 =	sadd.s32 s3, s9;
	s6 =	sadd.s32 @!p0 $0x88, s6;
	s7 =	simm.s32 @p2 $0x1082  }
0x22: {  	[simem:s7], [sflag:s8] =	dma.local @!p0 [hbm:s6], $0xF7A  }
0x23: {  	s9 =	sor.u32 $0xD0000000, s2;
	s6 =	simm.s32 $0x108;
	_ =	swait.ge @!p0 [sflag:s8], $0x0  }
0x24: {  	s3 =	sadd.s32 $0x88, s3;
	s6 =	simm.s32 @!p1 $0x1082;
	[sflag:s4] =	ssyncset.s32 $0xFFFFF086  }
0x25: {  	[simem:s6], [sflag:s4] =	dma.local [hbm:s3], $0xF7A  }
0x26: {  	[smem:$0x3F9D] =	sst s1;
	(tag) =	ssettag s2;
	_ =	strace s9  }
0x27: {  	s1 =	sld [smem:$0x3FAD]  }
0x28: {  	s2 =	sld [smem:$0x3FAE]  }
0x29: {  	s4 =	sld [smem:$0x3FB0]  }
0x2a: {  	p0 =	seq.s32 s5, $0x0;
	s5 =	sld [smem:$0x3FB1]  }
0x2b: {  	s6 =	sld [smem:$0x3FB2]  }
0x2c: {  	s7 =	sld [smem:$0x3FB3]  }
0x2d: {  	s3 =	simm.s32 $0x108;
	s8 =	sld [smem:$0x3FB4]  }
0x2e: {  	s3 =	simm.s32 @!p0 $0x1082;
	s9 =	sld [smem:$0x3FB5]  }
0x2f: {  	lr =	sadd.s32 s0, s3;
	s0 =	sld [smem:$0x3FAC]  }
0x30: {  	s3 =	sld [smem:$0x3FAF]  }
0x31: {  	[smem:$0x3FB8] =	sst s10  }
0x32: {  	s10 =	sld [smem:$0x3FB6];
	_ =	sdelay $0x3  }
0x33: {  	p0 =	seq.s32 s10, $0x1;
	s10 =	sld [smem:$0x3FB8];
	_ =	sdelay $0x3  }
0x34: {  	[smem:$0x3FB8] =	sst s10  }
0x35: {  	s10 =	sld [smem:$0x3FB7];
	_ =	sdelay $0x3  }
0x36: {  	p1 =	seq.s32 s10, $0x1;
	s10 =	sld [smem:$0x3FB8];
	_ =	sdelay $0x3  }
0x37: {  	[smem:$0x3FB8] =	sst s10  }
0x38: {  	s10 =	sld [smem:$0x3FB9]  }
0x39: {  	_ = 	snop;
	(pc) =	sbr.ind lr, $3  }
0x3a: {  	_ = 	snop  }
0x3b: {  	_ = 	snop  }
0x3c: {  	p2 =	seq.s32 s10, $0x1;
	s10 =	sld [smem:$0x3FB8]  }
0x3d: {  	_ =	shalt  }
0x3e: {  	_ =	shalt  }
0x3f: {  	_ =	shalt  }
0x40: {  	_ =	shalt  }
0x41: {  	_ =	shalt  }
0x42: {  	_ =	shalt  }
0x43: {  	_ =	shalt  }
0x44: {  	_ =	shalt  }
0x45: {  	_ =	shalt  }
0x46: {  	_ =	shalt  }
0x47: {  	_ =	shalt  }
0x48: {  	_ =	shalt  }
0x49: {  	_ =	shalt  }
0x4a: {  	_ =	shalt  }
0x4b: {  	_ =	shalt  }
0x4c: {  	_ =	shalt  }
0x4d: {  	_ =	shalt  }
0x4e: {  	_ =	shalt  }
0x4f: {  	_ =	shalt  }
0x50: {  	_ =	shalt  }
0x51: {  	_ =	shalt  }
0x52: {  	_ =	shalt  }
0x53: {  	_ =	shalt  }
0x54: {  	_ =	shalt  }
0x55: {  	_ =	shalt  }
0x56: {  	_ =	shalt  }
0x57: {  	_ =	shalt  }
0x58: {  	_ =	shalt  }
0x59: {  	_ =	shalt  }
0x5a: {  	_ =	shalt  }
0x5b: {  	_ =	shalt  }
0x5c: {  	_ =	shalt  }
0x5d: {  	_ =	shalt  }
0x5e: {  	_ =	shalt  }
0x5f: {  	_ =	shalt  }
0x60: {  	_ =	shalt  }
0x61: {  	_ =	shalt  }
0x62: {  	_ =	shalt  }
0x63: {  	_ =	shalt  }
0x64: {  	_ =	shalt  }
0x65: {  	_ =	shalt  }
0x66: {  	_ =	shalt  }
0x67: {  	_ =	shalt  }
0x68: {  	_ =	shalt  }
0x69: {  	_ =	shalt  }
0x6a: {  	_ =	shalt  }
0x6b: {  	_ =	shalt  }
0x6c: {  	_ =	shalt  }
0x6d: {  	_ =	shalt  }
0x6e: {  	_ =	shalt  }
0x6f: {  	_ =	shalt  }
0x70: {  	_ =	shalt  }
0x71: {  	_ =	shalt  }
0x72: {  	_ =	shalt  }
0x73: {  	_ =	shalt  }
0x74: {  	_ =	shalt  }
0x75: {  	_ =	shalt  }
0x76: {  	_ =	shalt  }
0x77: {  	_ =	shalt  }
0x78: {  	_ =	shalt  }
0x79: {  	_ =	shalt  }
0x7a: {  	_ =	shalt  }
0x7b: {  	_ =	shalt  }
0x7c: {  	_ =	shalt  }
0x7d: {  	_ =	shalt  }
0x7e: {  	_ =	shalt  }
0x7f: {  	_ =	shalt  }
0x80: {  	_ =	shalt  }
0x81: {  	_ =	shalt  }
0x82: {  	_ =	shalt  }
0x83: {  	_ =	shalt  }
0x84: {  	_ =	shalt  }
0x85: {  	_ =	shalt  }
0x86: {  	_ =	shalt  }
0x87: {  	_ =	shalt  }
.Lfunc_end0:
.L_simem_size_0:
called_computation_lowered:
.L_overlay_start_0:
0x88: {  	s2 =	sld [smem:$0x3FD9]  }
0x89: {  	s3 =	sld [smem:$0x3FFE];
	_ =	sdelay $0x1  }
0x8a: {  	s1 =	srdreg.scid  }
0x8b: {  	s0 =	sand.u32 $0x1, s1  }
0x8c: {  	s18 =	sshll.u32 s0, $0xA;
	s2 =	sadd.s32 s3, s2  }
0x8d: {  	s2 =	sadd.s32 s2, s18  }
0x8e: {  	[smem:$0x3FC4] =	sst s2  }
0x8f: {  	_ = 	snop  }
0x90: {  	s2 =	sld [smem:$0x3FC9]  }
0x91: {  	s19 =	sld [smem:$0x3FC8]  }
0x92: {  	s4 =	sld [smem:$0x3FC7]  }
0x93: {  	s5 =	sld [smem:$0x3FC6]  }
0x94: {  	s6 =	sld [smem:$0x3FD0];
	(tm) =	ssettm $0x1  }
0x95: {  	s7 =	sld [smem:$0x3FFB];
	_ =	sdelay $0x3  }
0x96: {  	_ =	strace s7  }
0x97: {  	s7 =	sld [smem:$0x3FFC];
	_ =	sdelay $0x3  }
0x98: {  	_ =	strace s7  }
0x99: {  	s7 =	sld [smem:$0x3FFD];
	_ =	sdelay $0x3  }
0x9a: {  	_ =	strace s7  }
0x9b: {  	_ =	strace $0x8FFFFFFF  }
0x9c: {  	s20 =	sld [smem:$0x3FDB];
	_ =	sdelay $0x1  }
0x9d: {  	s8 =	simm.s32 $_scs_section_size  }
0x9e: {  	s9 =	simm.s32 $_size__tile_overlayer_lowered;
	s10 =	simm.s32 $_tile_overlayer_lowered  }
0x9f: {  	s23 =	simm.s32 $0x1BFF;
	s22 =	sshll.u32 s10, $0x1;
	s7 =	sadd.s32 s8, s20  }
0xa0: {  	s11 =	simm.s32 $0x0;
	s21 =	sshll.u32 s9, $0x1;
	s9 =	sadd.s32 s22, s7  }
0xa1: {  	[timem:s11], [sflag:s23] =	dma.local [hbm:s9], s21  }
0xa2: {  	_ =	swait.ge [sflag:s23], s21  }
0xa3: {  	s8 =	ssub.s32 $0x0, s21;
	[sflag:s23] =	ssyncset.done $0x0  }
0xa4: {  	[sflag:s23] =	ssyncadd.s32 s8;
	_ =	sdelay $0x1  }
0xa5: {  	s24 =	simm.s32 $0x1B8B  }
0xa6: {  	_ =	swait.ge [sflag:s24], $0x1  }
0xa7: {  	[sflag:s24] =	ssyncset.done $0x0  }
0xa8: {  	s25 =	simm.s32 $0x1B8E;
	[sflag:s24] =	ssyncadd.s32 $0xFFFFFFFF  }
0xa9: {  	s26 =	simm.s32 $execute0_lowered;
	[smem:$0x3FD2] =	sst s25  }
0xaa: {  	s8 =	sshll.u32 s26, $0x1;
	_ =	strace $0x80000046;
	[dreg:$0x1] =	wrdreg $0xFFFFFFFF  }
0xab: {  	s28 =	simm.s32 $_size_execute0_lowered;
	s7 =	sadd.s32 s7, s8;
	[dreg:$0x0] =	wrdreg $0x0  }
0xac: {  	s8 =	sshll.u32 s28, $0x1;
	[dreg:$0x2] =	wrdreg s7  }
0xad: {  	[dreg:$0x3] =	wrdreg s8  }
0xae: {  	[dreg:$0x4] =	wrdreg $0xC0  }
0xaf: {  	_ =	task [dreg:s11], $0x5FFFF  }
0xb0: {  	[dreg:$0x1] =	wrdreg $0xFFFFFFFF  }
0xb1: {  	[dreg:$0x0] =	wrdreg $0x60  }
0xb2: {  	[dreg:$0x2] =	wrdreg s2  }
0xb3: {  	[dreg:$0x3] =	wrdreg s19  }
0xb4: {  	[dreg:$0x4] =	wrdreg s4  }
0xb5: {  	[dreg:$0x5] =	wrdreg s5  }
0xb6: {  	[dreg:$0x6] =	wrdreg s6  }
0xb7: {  	[dreg:$0x7] =	wrdreg $0x9  }
0xb8: {  	_ =	task.clear_ibuf [dreg:s11], $0x8FFFF;
	_ =	strace $0x90000046  }
0xb9: {  	s29 =	simm.s32 $0x9;
	_ =	strace $0x80000048  }
0xba: {  	_ =	swait.ge [sflag:s29], $0x1  }
0xbb: {  	[sflag:s29] =	ssyncadd.s32 $0xFFFFFFFF  }
0xbc: {  	_ =	strace $0x90000048  }
0xbd: {  	_ =	sfence  }
0xbe: {  	s30 =	sld [smem:$0x0];
	_ =	sdelay $0x2  }
0xbf: {  	s31 =	sshll.u32 s1, $0xD;
	s1 =	sshrl.u32 s1, $0x2  }
0xc0: {  	s3 =	sand.u32 $0x4000, s31;
	s1 =	sadd.s32 s1, s30  }
0xc1: {  	s0 =	sor.u32 s3, s0;
	s1 =	sshll.u32 s1, $0x11  }
0xc2: {  	s0 =	sor.u32 s1, s0  }
0xc3: {  	s0 =	sadd.s32 $0x8F2B, s0  }
0xc4: {  	[sflag:s0] =	ssyncadd.remote.s32 $0x1  }
0xc5: {  	_ =	sfence.sel $0xFFFF  }
0xc6: {  	[dreg:$0x0] =	wrdreg $0xFFFFFFFF;
	(pc) =	sbr.abs _section_cstart, $3  }
0xc7: {  	[dreg:$0x1] =	wrdreg $0xFFFFFFFF  }
0xc8: {  	_ =	task.clear_ibuf [dreg:s11], $0x2FFFF;
	_ =	strace $0x9FFFFFFF  }
0xc9: {  	(tm) =	ssettm $0x7FFFFFFF  }
tec
execute0_lowered:
.L_overlay_start_1:
0x0: {  	(tag) =	ssettag $0x1  }
0x1: {  	s0 =	rddreg [dreg:$0x0]  }
0x2: {  	s2 =	rddreg [dreg:$0x1]  }
0x3: {  	s3 =	rddreg [dreg:$0x2]  }
0x4: {  	s4 =	srdreg.scid;
	s5 =	rddreg [dreg:$0x3]  }
0x5: {  	s1 =	stileid.u32;
	s6 =	rddreg [dreg:$0x4]  }
0x6: {  	s14 =	simm.s32 $0x10000;
	s15 =	simm.s32 $0x5;
	s16 =	simm.s32 $0x12080  }
0x7: {  	s17 =	simm.s32 $0x14100;
	s18 =	simm.s32 $0x1;
	s19 =	simm.s32 $0x2  }
0x8: {  	s20 =	simm.s32 $0x4;
	s21 =	simm.s32 $0x3;
	s22 =	simm.s32 $0x0  }
0x9: {  	s9 =	sand.u32 $0x1, s4;
	s7 =	sshll.u32 s1, $0x14;
	s4 =	rddreg [dreg:$0x5]  }
.Ltmp0:
0xa: {  	s8 =	sshll.u32 s9, $0x13;
	s10 =	ssub.s32 $0x2, s9;
	(pc) =	sbr.rel .LBB2_1-.Ltmp0, $4  }
0xb: {  	s7 =	sor.u32 s8, s7;
	s8 =	simm.s32 $0x0;
	s11 =	sshrl.u32 s10, $0x1  }
0xc: {  	s31 =	sshrl.u32 s7, $0x3;
	[smem:$0x7FF] =	sst s8;
	s13 =	ssub.s32 s10, s11  }
0xd: {  	s11 =	sor.u32 $0x8000, s7;
	s12 =	sor.u32 $0xC000, s7;
	s9 =	sadd.s32 s0, s31  }
0xe: {  	v0 =	vlaneseq.u32;
	_ =	strace $0x80000047;
	s13 =	smax.u32 s13, $0x1;
	s10 =	sadd.s32 $0x800, s9  }
.LBB2_24:
0xf: {  	s22 =	sadd.s32 $0x1, s22  }
0x10: {  	_ =	swait.ge [sflag:s21], $0x4000;
	p0 =	sne.s32 s22, s13  }
.Ltmp1:
0x11: {  	[sflag:s21] =	ssyncset.done $0x0;
	(pc) =	sbr.rel @!p0 .LBB2_25-.Ltmp1, $4  }
0x12: {  	[sflag:s21] =	ssyncadd.s32 $0xFFFFC000  }
0x13: {  	_ =	swait.ge [sflag:s20], $0x4000  }
0x14: {  	[sflag:s20] =	ssyncset.done $0x0  }
0x15: {  	[sflag:s20] =	ssyncadd.s32 $0xFFFFC000  }
.LBB2_1:
0x16: {  	[tilespmem:s14], [sflag:$0x5] =	stream.linear.gather [hbm4b:s2+s8], $0x2080, $0x38;
	[tilespmem:$0x14500] =	vst v63  }
0x17: {  	_ =	swait.ge [sflag:s15], $0x2080  }
0x18: {  	[sflag:s15] =	ssyncset.done $0x0  }
0x19: {  	[sflag:s15] =	ssyncadd.s32 $0xFFFFDF80  }
0x1a: {  	[tilespmem:s16], [sflag:$0x5] =	stream.linear.gather [hbm4b:s3+s8], $0x2080, $0x38;
	[tilespmem:$0x14500] =	vst v63  }
0x1b: {  	_ =	swait.ge [sflag:s15], $0x2080  }
0x1c: {  	[sflag:s15] =	ssyncset.done $0x0  }
0x1d: {  	[sflag:s15] =	ssyncadd.s32 $0xFFFFDF80  }
0x1e: {  	[tilespmem:s17], [sflag:$0x5] =	stream.linear.gather [hbm4b:s5+s8], $0x400, $0x38;
	[tilespmem:$0x14500] =	vst v63  }
0x1f: {  	_ =	swait.ge [sflag:s15], $0x400  }
0x20: {  	[sflag:s15] =	ssyncset.done $0x0  }
0x21: {  	[sflag:s15] =	ssyncadd.s32 $0xFFFFFC00  }
0x22: {  	v1 =	vld [tilespmem:$0x14100]  }
0x23: {  	v2 =	vld [tilespmem:$0x14180]  }
0x24: {  	s23 =	simm.s32 $0x10;
	v3 =	vld [tilespmem:$0x14200]  }
0x25: {  	s26 =	sadd.s32 $0x0, s9;
	s24 =	simm.s32 $0x100;
	s25 =	simm.s32 $0x0;
	v4 =	vld [tilespmem:$0x14280]  }
.LBB2_2:
0x26: {  	[tilespmem:s25], [sflag:$0x1] =	stream.linear.gather [hbm4b:s26+s8], $0x80, $0x38;
	[tilespmem:$0x14500] =	vst v63  }
0x27: {  	s26 =	smov.u32 s23;
	s25 =	smov.u32 s24;
	p0 =	sne.s32 s23, $0x7F0  }
.Ltmp2:
0x28: {  	s23 =	sadd.s32 $0x10, s23;
	(pc) =	sbr.rel @p0 .LBB2_2-.Ltmp2, $2  }
0x29: {  	_ =	sdelay $0x2  }
0x2a: {  	s24 =	sadd.s32 $0x100, s24;
	s26 =	sadd.s32 s26, s9  }
0x2b: {  	[tilespmem:s25], [sflag:$0x1] =	stream.linear.gather [hbm4b:s26+s8], $0x80, $0x38;
	[tilespmem:$0x14500] =	vst v63  }
0x2c: {  	s23 =	simm.s32 $0x0;
	s24 =	simm.s32 $0x80  }
0x2d: {  	s25 =	simm.s32 $0x10;
	s28 =	sadd.s32 $0x0, s10;
	s26 =	simm.s32 $0x180  }
.LBB2_4:
0x2e: {  	[tilespmem:s24], [sflag:$0x2] =	stream.linear.gather [hbm4b:s28+s23], $0x80, $0x38;
	[tilespmem:$0x14500] =	vst v63  }
0x2f: {  	s28 =	smov.u32 s25;
	s24 =	smov.u32 s26;
	p0 =	sne.s32 s25, $0x7F0  }
.Ltmp3:
0x30: {  	s25 =	sadd.s32 $0x10, s25;
	(pc) =	sbr.rel @p0 .LBB2_4-.Ltmp3, $2  }
0x31: {  	_ =	sdelay $0x2  }
0x32: {  	s26 =	sadd.s32 $0x100, s26;
	s28 =	sadd.s32 s28, s10  }
0x33: {  	[tilespmem:s24], [sflag:$0x2] =	stream.linear.gather [hbm4b:s28+s23], $0x80, $0x38;
	[tilespmem:$0x14500] =	vst v63  }
.LBB2_6:
0x34: {  	_ =	swait.ge [sflag:s18], $0x4000  }
0x35: {  	p0 =	seq.s32 s23, $0x0;
	[sflag:s18] =	ssyncset.done $0x0  }
0x36: {  	s24 =	simm.s32 @!p0 $0x3;
	[sflag:s18] =	ssyncadd.s32 $0xFFFFC000  }
0x37: {  	_ =	swait.ge @!p0 [sflag:s24], $0x4000  }
0x38: {  	[sflag:s24] =	ssyncset.done @!p0 $0x0  }
0x39: {  	s25 =	simm.s32 $0x40;
	[sflag:s24] =	ssyncadd.s32 @!p0 $0xFFFFC000  }
0x3a: {  	v5 =	vld [tilespmem:s25+$0x30]  }
0x3b: {  	v6 =	vld [tilespmem:s25+$0xFFFFFFD0]  }
0x3c: {  	v7 =	vld [tilespmem:s25+$0xFFFFFFE0]  }
0x3d: {  	v8 =	vld [tilespmem:s25+$0xFFFFFFF0]  }
0x3e: {  	v9 =	vld [tilespmem:s25+$0x0]  }
0x3f: {  	v10 =	vld [tilespmem:s25+$0x10]  }
0x40: {  	v11 =	vld [tilespmem:s25+$0x20]  }
0x41: {  	v12 =	vld [tilespmem:s25+$0xFFFFFFC0];
	_ =	sdelay $0x1  }
0x42: {  	v5 =	vmax.f32 v5, v1  }
0x43: {  	v6 =	vmax.f32 v6, v1;
	v7 =	vmax.f32 v7, v1;
	v8 =	vmax.f32 v8, v1  }
0x44: {  	v9 =	vmax.f32 v9, v1;
	v10 =	vmax.f32 v10, v1;
	v11 =	vmax.f32 v11, v1  }
0x45: {  	v12 =	vmax.f32 v12, v1;
	v5 =	vmin.f32 v5, v2;
	v6 =	vmin.f32 v6, v2  }
0x46: {  	v7 =	vmin.f32 v7, v2;
	v8 =	vmin.f32 v8, v2;
	v9 =	vmin.f32 v9, v2  }
0x47: {  	v10 =	vmin.f32 v10, v2;
	v5 =	vmul.f32 v5, v3;
	v6 =	vmul.f32 v6, v3  }
0x48: {  	v12 =	vmin.f32 v12, v2;
	v7 =	vmul.f32 v7, v3;
	v8 =	vmul.f32 v8, v3  }
0x49: {  	v11 =	vmin.f32 v11, v2;
	v9 =	vmul.f32 v9, v3;
	v12 =	vmul.f32 v12, v3  }
0x4a: {  	v10 =	vmul.f32 v10, v3;
	v5 =	vadd.f32 v5, v4;
	v6 =	vadd.f32 v6, v4  }
0x4b: {  	v11 =	vmul.f32 v11, v3;
	v16 =	vadd.f32 v12, v4;
	v7 =	vadd.f32 v7, v4  }
0x4c: {  	v8 =	vadd.f32 v8, v4;
	v9 =	vadd.f32 v9, v4;
	v13 =	vtrunc.f32 v5  }
0x4d: {  	v10 =	vadd.f32 v10, v4;
	v12 =	vtrunc.f32 v6;
	v15 =	vtrunc.f32 v16  }
0x4e: {  	v17 =	vadd.f32 v11, v4;
	v11 =	vtrunc.f32 v7;
	v18 =	vtrunc.f32 v8  }
0x4f: {  	v19 =	vtrunc.f32 v9;
	v20 =	vtrunc.f32 v10  }
0x50: {  	v13 =	vcvt.f32.s32 v13;
	v21 =	vcvt.f32.s32 v15  }
0x51: {  	v15 =	vtrunc.f32 v17;
	v23 =	vcvt.f32.s32 v12  }
0x52: {  	v18 =	vcvt.f32.s32 v18;
	v19 =	vcvt.f32.s32 v19  }
0x53: {  	v25 =	vcvt.f32.s32 v15;
	v14 =	vshll.u32 v13, $0x4;
	v12 =	vcvt.s32.f32 v13  }
0x54: {  	s26 =	simm.s32 $0x140;
	v13 =	vshll.u32 v21, $0x4;
	v21 =	vcvt.s32.f32 v21;
	v14 =	vor.u32 v0, v14  }
0x55: {  	v30 =	vld [tilespmem:s26+$0x30];
	v15 =	vshll.u32 v18, $0x4;
	v18 =	vcvt.s32.f32 v18;
	v5 =	vsub.f32 v5, v12  }
0x56: {  	v12 =	vshll.u32 v23, $0x4;
	v23 =	vcvt.s32.f32 v23;
	v16 =	vsub.f32 v16, v21;
	v21 =	vld [tilespmem:s26+$0x0]  }
0x57: {  	v24 =	vcvt.f32.s32 v11;
	v20 =	vcvt.f32.s32 v20;
	v31 =	vsub.f32 v8, v18;
	v8 =	vld [tilespmem:s26+$0xFFFFFFC0]  }
0x58: {  	v26 =	vshll.u32 v19, $0x4;
	v19 =	vcvt.s32.f32 v19;
	v23 =	vsub.f32 v6, v23;
	v6 =	vld [tilespmem:s26+$0x10]  }
0x59: {  	v27 =	vshll.u32 v25, $0x4;
	v15 =	vor.u32 v0, v15;
	v25 =	vcvt.s32.f32 v25;
	v22 =	vld.idx.msk [tilespmem:v14+s16+$0x0], $0xffff  }
0x5a: {  	v19 =	vsub.f32 v9, v19;
	v11 =	vld.idx.msk [tilespmem:v14+s14+$0x0], $0xffff;
	v14 =	vshll.u32 v24, $0x4;
	v24 =	vcvt.s32.f32 v24  }
0x5b: {  	v28 =	vor.u32 v0, v12;
	v29 =	vor.u32 v0, v14;
	v14 =	vor.u32 v0, v26  }
0x5c: {  	v21 =	vmax.f32 v21, v1;
	v8 =	vmax.f32 v8, v1;
	v24 =	vsub.f32 v7, v24  }
0x5d: {  	v7 =	vmax.f32 v30, v1;
	v21 =	vmin.f32 v21, v2;
	v8 =	vmin.f32 v8, v2  }
0x5e: {  	v26 =	vld [tilespmem:s26+$0xFFFFFFE0];
	v7 =	vmin.f32 v7, v2;
	v6 =	vmax.f32 v6, v1;
	v21 =	vmul.f32 v21, v3  }
0x5f: {  	v30 =	vld [tilespmem:s26+$0x20];
	v8 =	vmul.f32 v8, v3;
	v7 =	vmul.f32 v7, v3;
	v6 =	vmin.f32 v6, v2  }
0x60: {  	v5 =	vmul.f32 v5, v22;
	v22 =	vor.u32 v0, v13;
	v13 =	vshll.u32 v20, $0x4  }
0x61: {  	v20 =	vcvt.s32.f32 v20;
	v12 =	vor.u32 v0, v13;
	v13 =	vor.u32 v0, v27;
	v27 =	vld [tilespmem:s26+$0xFFFFFFF0]  }
0x62: {  	v6 =	vmul.f32 v6, v3;
	v8 =	vadd.f32 v8, v4;
	v21 =	vadd.f32 v21, v4  }
0x63: {  	v18 =	vmax.f32 v26, v1;
	v7 =	vadd.f32 v7, v4;
	v11 =	vadd.f32 v5, v11  }
0x64: {  	v5 =	vld [tilespmem:s26+$0xFFFFFFD0];
	v18 =	vmin.f32 v18, v2;
	v30 =	vmax.f32 v30, v1;
	v59 =	vtrunc.f32 v8  }
0x65: {  	v35 =	vadd.f32 v6, v4;
	v9 =	vtrunc.f32 v21;
	v20 =	vsub.f32 v10, v20  }
0x66: {  	v18 =	vmul.f32 v18, v3;
	v26 =	vmax.f32 v27, v1;
	v27 =	vtrunc.f32 v7  }
0x67: {  	v44 =	vld.idx.msk [tilespmem:v14+s16+$0x0], $0xffff;
	v30 =	vmin.f32 v30, v2;
	v10 =	vcvt.f32.s32 v59;
	v27 =	vcvt.f32.s32 v27  }
0x68: {  	v17 =	vsub.f32 v17, v25;
	v9 =	vcvt.f32.s32 v9;
	v30 =	vmul.f32 v30, v3  }
0x69: {  	v37 =	vtrunc.f32 v35;
	v5 =	vmax.f32 v5, v1;
	v33 =	vshll.u32 v27, $0x4  }
0x6a: {  	s31 =	simm.s32 $0x240;
	v32 =	vld.idx.msk [tilespmem:v22+s16+$0x0], $0xffff;
	v34 =	vadd.f32 v18, v4;
	v5 =	vmin.f32 v5, v2;
	v33 =	vor.u32 v0, v33  }
0x6b: {  	v52 =	vld [tilespmem:s31+$0xFFFFFFD0];
	v61 =	vshll.u32 v10, $0x4;
	v39 =	vcvt.f32.s32 v37;
	v5 =	vmul.f32 v5, v3  }
0x6c: {  	v22 =	vld.idx.msk [tilespmem:v22+s14+$0x0], $0xffff;
	v30 =	vadd.f32 v30, v4;
	v19 =	vmul.f32 v19, v44;
	v26 =	vmin.f32 v26, v2  }
0x6d: {  	v45 =	vld.idx.msk [tilespmem:v12+s16+$0x0], $0xffff;
	v6 =	vtrunc.f32 v34;
	v26 =	vmul.f32 v26, v3;
	v5 =	vadd.f32 v5, v4  }
0x6e: {  	v43 =	vshll.u32 v9, $0x4;
	v49 =	vld.idx.msk [tilespmem:v13+s16+$0x0], $0xffff;
	v60 =	vtrunc.f32 v30;
	v6 =	vcvt.f32.s32 v6  }
0x6f: {  	v43 =	vor.u32 v0, v43;
	v16 =	vmul.f32 v16, v32;
	v18 =	vtrunc.f32 v5;
	v25 =	vld.idx.msk [tilespmem:v33+s16+$0x0], $0xffff  }
0x70: {  	v63 =	vshll.u32 v39, $0x4;
	v38 =	vcvt.f32.s32 v18;
	v18 =	vcvt.s32.f32 v27  }
0x71: {  	v26 =	vadd.f32 v26, v4;
	v62 =	vshll.u32 v6, $0x4;
	v32 =	vcvt.f32.s32 v60;
	v33 =	vld.idx.msk [tilespmem:v33+s14+$0x0], $0xffff  }
0x72: {  	v53 =	vld [tilespmem:s31+$0xFFFFFFE0];
	v6 =	vcvt.s32.f32 v6;
	v48 =	vor.u32 v0, v62;
	v7 =	vsub.f32 v7, v18  }
0x73: {  	v41 =	vld.idx.msk [tilespmem:v15+s16+$0x0], $0xffff;
	v20 =	vmul.f32 v20, v45;
	v45 =	vmul.f32 v17, v49;
	v17 =	vmax.f32 v52, v1  }
0x74: {  	v40 =	vld.idx.msk [tilespmem:v29+s16+$0x0], $0xffff;
	v36 =	vtrunc.f32 v26;
	v22 =	vadd.f32 v16, v22;
	v7 =	vmul.f32 v7, v25  }
0x75: {  	v46 =	vshll.u32 v32, $0x4;
	v17 =	vmin.f32 v17, v2;
	v16 =	vcvt.f32.s32 v36;
	v27 =	vld.idx.msk [tilespmem:v28+s16+$0x0], $0xffff  }
0x76: {  	v37 =	vor.u32 v0, v46;
	v46 =	vld [tilespmem:s31+$0x30];
	v50 =	vadd.f32 v7, v33;
	v7 =	vcvt.s32.f32 v10  }
0x77: {  	v55 =	vld.idx.msk [tilespmem:v15+s14+$0x0], $0xffff;
	v17 =	vmul.f32 v17, v3;
	v42 =	vshll.u32 v16, $0x4;
	v10 =	vcvt.s32.f32 v38  }
0x78: {  	v28 =	vld.idx.msk [tilespmem:v28+s14+$0x0], $0xffff;
	v16 =	vcvt.s32.f32 v16;
	v18 =	vshll.u32 v38, $0x4;
	v51 =	vsub.f32 v8, v7  }
0x79: {  	v29 =	vld.idx.msk [tilespmem:v29+s14+$0x0], $0xffff;
	v8 =	vcvt.s32.f32 v9;
	v7 =	vsub.f32 v5, v10;
	v5 =	vsub.f32 v34, v6  }
0x7a: {  	v6 =	vsub.f32 v26, v16;
	v16 =	vmul.f32 v23, v27;
	v23 =	vmul.f32 v24, v40;
	v24 =	vld [tilespmem:s31+$0x0]  }
0x7b: {  	v25 =	vor.u32 v0, v61;
	v10 =	vcvt.s32.f32 v32;
	v26 =	vld [tilespmem:s31+$0x10];
	v27 =	vmax.f32 v46, v1  }
0x7c: {  	v9 =	vcvt.s32.f32 v39;
	v27 =	vmin.f32 v27, v2;
	v8 =	vsub.f32 v21, v8;
	v21 =	vld [tilespmem:s31+$0xFFFFFFF0]  }
0x7d: {  	v10 =	vsub.f32 v30, v10;
	v28 =	vadd.f32 v16, v28;
	v16 =	vmul.f32 v31, v41;
	v30 =	vld [tilespmem:s31+$0x20]  }
0x7e: {  	v23 =	vadd.f32 v23, v29;
	v29 =	vld [tilespmem:s31+$0xFFFFFFC0];
	v31 =	vmax.f32 v53, v1;
	v27 =	vmul.f32 v27, v3  }
0x7f: {  	v42 =	vor.u32 v0, v42;
	v47 =	vor.u32 v0, v18;
	v31 =	vmin.f32 v31, v2  }
0x80: {  	v9 =	vsub.f32 v35, v9;
	v32 =	vadd.f32 v27, v4;
	v27 =	vmul.f32 v31, v3  }
0x81: {  	v34 =	vadd.f32 v16, v55;
	v24 =	vmax.f32 v24, v1;
	v26 =	vmax.f32 v26, v1  }
0x82: {  	v31 =	vld.idx.msk [tilespmem:v25+s16+$0x0], $0xffff;
	v24 =	vmin.f32 v24, v2;
	v26 =	vmin.f32 v26, v2;
	v54 =	vtrunc.f32 v32  }
0x83: {  	v56 =	vld.idx.msk [tilespmem:v14+s14+$0x0], $0xffff;
	v21 =	vmax.f32 v21, v1;
	v30 =	vmax.f32 v30, v1;
	v15 =	vmax.f32 v29, v1  }
0x84: {  	v57 =	vmul.f32 v26, v3;
	v21 =	vmin.f32 v21, v2;
	v29 =	vmin.f32 v30, v2  }
0x85: {  	v30 =	vcvt.f32.s32 v54;
	v14 =	vmin.f32 v15, v2;
	v15 =	vmul.f32 v21, v3  }
0x86: {  	v38 =	vld.idx.msk [tilespmem:v12+s14+$0x0], $0xffff;
	v21 =	vmul.f32 v24, v3;
	v12 =	vmul.f32 v14, v3;
	v24 =	vadd.f32 v17, v4  }
0x87: {  	v46 =	vld.idx.msk [tilespmem:v13+s14+$0x0], $0xffff;
	v13 =	vmul.f32 v29, v3;
	v29 =	vadd.f32 v27, v4;
	v31 =	vmul.f32 v51, v31  }
0x88: {  	v58 =	vld.idx.msk [tilespmem:v25+s14+$0x0], $0xffff;
	v25 =	vadd.f32 v57, v4;
	v51 =	vadd.f32 v19, v56;
	v14 =	vshll.u32 v30, $0x4  }
0x89: {  	v17 =	vor.u32 v0, v14;
	v33 =	vadd.f32 v12, v4;
	v59 =	vtrunc.f32 v24  }
0x8a: {  	v35 =	vld.idx.msk [tilespmem:v47+s14+$0x0], $0xffff;
	v27 =	vadd.f32 v15, v4;
	v61 =	vtrunc.f32 v29;
	v60 =	vtrunc.f32 v25  }
0x8b: {  	v16 =	vld.idx.msk [tilespmem:v43+s16+$0x0], $0xffff;
	v26 =	vadd.f32 v21, v4;
	v54 =	vcvt.f32.s32 v59;
	v56 =	vcvt.f32.s32 v61  }
0x8c: {  	v14 =	vld.idx.msk [tilespmem:v47+s16+$0x0], $0xffff;
	v15 =	vadd.f32 v13, v4;
	v39 =	vcvt.f32.s32 v60;
	v21 =	vtrunc.f32 v33  }
0x8d: {  	s28 =	simm.s32 $0x8040;
	v18 =	vor.u32 v0, v63;
	v12 =	vld.idx.msk [tilespmem:v48+s16+$0x0], $0xffff;
	v62 =	vtrunc.f32 v27;
	v63 =	vtrunc.f32 v26  }
0x8e: {  	[tilespmem:s28+$0x30] =	vst v11;
	v55 =	vadd.f32 v20, v38;
	v11 =	vtrunc.f32 v15;
	v53 =	vcvt.f32.s32 v21;
	v19 =	vld.idx.msk [tilespmem:v17+s16+$0x0], $0xffff  }
0x8f: {  	[tilespmem:s28+$0xFFFFFFC0] =	vst v22;
	v13 =	vld.idx.msk [tilespmem:v42+s16+$0x0], $0xffff;
	v52 =	vadd.f32 v31, v58;
	v21 =	vcvt.s32.f32 v30;
	v41 =	vcvt.f32.s32 v62  }
0x90: {  	s25 =	simm.s32 $0x8140;
	[tilespmem:s28+$0xFFFFFFD0] =	vst v28;
	v40 =	vcvt.f32.s32 v63;
	v28 =	vshll.u32 v54, $0x4;
	v61 =	vshll.u32 v56, $0x4;
	v30 =	vld.idx.msk [tilespmem:v17+s14+$0x0], $0xffff  }
0x91: {  	[tilespmem:s25+$0x30] =	vst v50;
	v31 =	vld.idx.msk [tilespmem:v48+s14+$0x0], $0xffff;
	v38 =	vcvt.f32.s32 v11;
	v44 =	vcvt.s32.f32 v56;
	v20 =	vsub.f32 v32, v21  }
0x92: {  	[tilespmem:s28+$0xFFFFFFF0] =	vst v34;
	v34 =	vor.u32 v0, v28;
	v17 =	vld.idx.msk [tilespmem:v18+s16+$0x0], $0xffff;
	v22 =	vshll.u32 v53, $0x4;
	v11 =	vshll.u32 v41, $0x4  }
0x93: {  	[tilespmem:s28+$0xFFFFFFE0] =	vst v23;
	v21 =	vld.idx.msk [tilespmem:v37+s16+$0x0], $0xffff;
	v23 =	vshll.u32 v40, $0x4;
	v63 =	vshll.u32 v38, $0x4;
	v20 =	vmul.f32 v20, v19  }
0x94: {  	[tilespmem:s28+$0x10] =	vst v55;
	v32 =	vor.u32 v0, v61;
	v18 =	vld.idx.msk [tilespmem:v18+s14+$0x0], $0xffff;
	v41 =	vcvt.s32.f32 v41;
	v36 =	vor.u32 v0, v22  }
0x95: {  	[tilespmem:s28+$0x0] =	vst v51;
	v22 =	vshll.u32 v39, $0x4;
	v28 =	vor.u32 v0, v23;
	v19 =	vld.idx.msk [tilespmem:v42+s14+$0x0], $0xffff;
	v62 =	vadd.f32 v20, v30  }
0x96: {  	s26 =	simm.s32 $0x8240;
	[tilespmem:s25+$0xFFFFFFC0] =	vst v52;
	v23 =	vor.u32 v0, v22;
	v22 =	vor.u32 v0, v63;
	v20 =	vld.idx.msk [tilespmem:v43+s14+$0x0], $0xffff;
	v43 =	vcvt.s32.f32 v53  }
0x97: {  	s29 =	simm.s32 $0x100;
	s30 =	simm.s32 $0x340;
	s24 =	sshll.u32 s23, $0xF;
	v42 =	vcvt.s32.f32 v54;
	v30 =	vor.u32 v0, v11;
	v11 =	vld.idx.msk [tilespmem:v37+s14+$0x0], $0xffff;
	v37 =	vadd.f32 v45, v46;
	[tilespmem:s26+$0x30] =	vst v62  }
.LBB2_7:
0x98: {  	v45 =	vld [tilespmem:s30+$0x30];
	s29 =	sadd.s32 $0x80, s29;
	v43 =	vsub.f32 v33, v43;
	v33 =	vcvt.s32.f32 v40;
	v39 =	vcvt.s32.f32 v39  }
0x99: {  	v24 =	vsub.f32 v24, v42;
	v38 =	vcvt.s32.f32 v38;
	v40 =	vld [tilespmem:s30+$0xFFFFFFD0];
	p1 =	slt.u32 s29, $0x3F80;
	v29 =	vsub.f32 v29, v44;
	[tilespmem:s28+$0x20] =	vst v37;
	s28 =	smov.u32 s25;
	s25 =	smov.u32 s26  }
0x9a: {  	v14 =	vmul.f32 v7, v14;
	v27 =	vsub.f32 v27, v41;
	v42 =	vld [tilespmem:s30+$0xFFFFFFE0];
	v26 =	vsub.f32 v26, v33  }
0x9b: {  	v12 =	vmul.f32 v5, v12;
	v25 =	vsub.f32 v25, v39;
	v15 =	vsub.f32 v15, v38;
	v7 =	vmovc v24;
	v33 =	vld [tilespmem:s30+$0xFFFFFFF0]  }
0x9c: {  	v14 =	vadd.f32 v14, v35;
	v38 =	vmul.f32 v6, v13;
	v39 =	vmul.f32 v8, v16;
	v5 =	vmovc v29;
	v24 =	vld [tilespmem:s30+$0x0]  }
0x9d: {  	v41 =	vmul.f32 v9, v17;
	v37 =	vmul.f32 v10, v21;
	v6 =	vmovc v27;
	v13 =	vld [tilespmem:s30+$0x10];
	v29 =	vmax.f32 v45, v1  }
0x9e: {  	v16 =	vadd.f32 v12, v31;
	v9 =	vmax.f32 v40, v1;
	v10 =	vld [tilespmem:s30+$0x20];
	v21 =	vmin.f32 v29, v2;
	[tilespmem:s28+$0xFFFFFFD0] =	vst v14  }
0x9f: {  	v8 =	vmovc v26;
	v17 =	vld [tilespmem:s30+$0xFFFFFFC0];
	v9 =	vmin.f32 v9, v2;
	v12 =	vmax.f32 v42, v1;
	v14 =	vmul.f32 v21, v3  }
0xa0: {  	v26 =	vmul.f32 v9, v3;
	v9 =	vmin.f32 v12, v2;
	v12 =	vmax.f32 v33, v1;
	v27 =	vld.idx.msk [tilespmem:v36+s16+$0x0], $0xffff  }
0xa1: {  	v21 =	vmin.f32 v12, v2;
	v12 =	vmax.f32 v24, v1;
	v42 =	vadd.f32 v14, v4;
	v14 =	vld.idx.msk [tilespmem:v34+s16+$0x0], $0xffff  }
0xa2: {  	v29 =	vmul.f32 v9, v3;
	v24 =	vmin.f32 v12, v2;
	v44 =	vmax.f32 v13, v1;
	v12 =	vld.idx.msk [tilespmem:v32+s16+$0x0], $0xffff  }
0xa3: {  	v31 =	vmin.f32 v44, v2;
	v35 =	vmax.f32 v10, v1;
	v10 =	vtrunc.f32 v42;
	v13 =	vld.idx.msk [tilespmem:v30+s16+$0x0], $0xffff;
	[tilespmem:s28+$0xFFFFFFE0] =	vst v16  }
0xa4: {  	v9 =	vmovc v25;
	v17 =	vmax.f32 v17, v1;
	v33 =	vmin.f32 v35, v2;
	v40 =	vcvt.f32.s32 v10;
	v16 =	vld.idx.msk [tilespmem:v28+s16+$0x0], $0xffff  }
0xa5: {  	v25 =	vmul.f32 v21, v3;
	v44 =	vmul.f32 v24, v3;
	v46 =	vmin.f32 v17, v2;
	v17 =	vld.idx.msk [tilespmem:v23+s16+$0x0], $0xffff  }
0xa6: {  	v45 =	vmul.f32 v31, v3;
	v35 =	vmul.f32 v46, v3;
	v31 =	vshll.u32 v40, $0x4;
	v21 =	vld.idx.msk [tilespmem:v22+s16+$0x0], $0xffff;
	v10 =	vmovc v15  }
0xa7: {  	v24 =	vadd.f32 v26, v4;
	v15 =	vmul.f32 v33, v3;
	v46 =	vor.u32 v0, v31;
	v36 =	vld.idx.msk [tilespmem:v36+s14+$0x0], $0xffff  }
0xa8: {  	v29 =	vadd.f32 v29, v4;
	v43 =	vmul.f32 v43, v27;
	v33 =	vadd.f32 v35, v4;
	v35 =	vld.idx.msk [tilespmem:v34+s14+$0x0], $0xffff  }
0xa9: {  	v27 =	vadd.f32 v25, v4;
	v26 =	vadd.f32 v44, v4;
	v34 =	vtrunc.f32 v24;
	v31 =	vld.idx.msk [tilespmem:v32+s14+$0x0], $0xffff  }
0xaa: {  	v25 =	vadd.f32 v45, v4;
	v15 =	vadd.f32 v15, v4;
	v32 =	vtrunc.f32 v33;
	v30 =	vld.idx.msk [tilespmem:v30+s14+$0x0], $0xffff  }
0xab: {  	v19 =	vadd.f32 v38, v19;
	v44 =	vtrunc.f32 v29;
	v45 =	vtrunc.f32 v27;
	v28 =	vld.idx.msk [tilespmem:v28+s14+$0x0], $0xffff  }
0xac: {  	v20 =	vadd.f32 v39, v20;
	v38 =	vtrunc.f32 v26;
	v47 =	vtrunc.f32 v25;
	v48 =	vld.idx.msk [tilespmem:v46+s16+$0x0], $0xffff  }
0xad: {  	v49 =	vcvt.f32.s32 v32;
	v32 =	vtrunc.f32 v15;
	v36 =	vadd.f32 v43, v36;
	v23 =	vld.idx.msk [tilespmem:v23+s14+$0x0], $0xffff;
	[tilespmem:s28+$0xFFFFFFF0] =	vst v19  }
0xae: {  	v18 =	vadd.f32 v41, v18;
	v51 =	vcvt.s32.f32 v40;
	v50 =	vcvt.f32.s32 v34;
	v43 =	vld.idx.msk [tilespmem:v46+s14+$0x0], $0xffff;
	[tilespmem:s28+$0x0] =	vst v20  }
0xaf: {  	v41 =	vcvt.f32.s32 v44;
	v45 =	vcvt.f32.s32 v45;
	v34 =	vshll.u32 v49, $0x4;
	[tilespmem:s26+$0xFFFFFFC0] =	vst v36;
	v46 =	vld.idx.msk [tilespmem:v22+s14+$0x0], $0xffff  }
0xb0: {  	v40 =	vcvt.f32.s32 v38;
	v39 =	vcvt.f32.s32 v47;
	v22 =	vsub.f32 v42, v51;
	v19 =	vmovc v30;
	[tilespmem:s28+$0x10] =	vst v18  }
0xb1: {  	v38 =	vcvt.f32.s32 v32;
	v30 =	vshll.u32 v50, $0x4;
	v42 =	vshll.u32 v41, $0x4;
	v20 =	vmovc v28  }
0xb2: {  	v44 =	vshll.u32 v40, $0x4;
	v28 =	vshll.u32 v45, $0x4;
	v22 =	vmul.f32 v22, v48  }
.Ltmp4:
0xb3: {  	v47 =	vshll.u32 v39, $0x4;
	v36 =	vor.u32 v0, v34;
	v48 =	vshll.u32 v38, $0x4;
	v18 =	vmovc v23;
	(pc) =	sbr.rel @p1 .LBB2_7-.Ltmp4, $4  }
0xb4: {  	v34 =	vor.u32 v0, v30;
	v32 =	vor.u32 v0, v42;
	v51 =	vadd.f32 v22, v43  }
0xb5: {  	s26 =	sadd.s32 $0x100, s26;
	v30 =	vor.u32 v0, v28;
	v28 =	vor.u32 v0, v44;
	v23 =	vor.u32 v0, v47  }
0xb6: {  	v42 =	vcvt.s32.f32 v50;
	v43 =	vcvt.s32.f32 v49;
	v22 =	vor.u32 v0, v48;
	[tilespmem:s26+$0x30] =	vst v51  }
0xb7: {  	v37 =	vadd.f32 v37, v11;
	s30 =	sadd.s32 $0x100, s30;
	v44 =	vcvt.s32.f32 v41;
	v41 =	vcvt.s32.f32 v45;
	v11 =	vmovc v46  }
0xb8: {  	_ =	sdelay $0x3  }
0xb9: {  	v45 =	vld.idx.msk [tilespmem:v36+s16+$0x0], $0xffff  }
0xba: {  	v46 =	vld.idx.msk [tilespmem:v34+s16+$0x0], $0xffff  }
0xbb: {  	v47 =	vld.idx.msk [tilespmem:v32+s16+$0x0], $0xffff  }
0xbc: {  	v63 =	vld.idx.msk [tilespmem:v30+s16+$0x0], $0xffff  }
0xbd: {  	v33 =	vsub.f32 v33, v43;
	v43 =	vld.idx.msk [tilespmem:v28+s16+$0x0], $0xffff  }
0xbe: {  	v48 =	vld.idx.msk [tilespmem:v36+s14+$0x0], $0xffff  }
0xbf: {  	v7 =	vmul.f32 v7, v14;
	v49 =	vld.idx.msk [tilespmem:v23+s16+$0x0], $0xffff  }
0xc0: {  	v24 =	vsub.f32 v24, v42;
	v5 =	vmul.f32 v5, v12;
	v6 =	vmul.f32 v6, v13;
	v50 =	vld.idx.msk [tilespmem:v22+s16+$0x0], $0xffff  }
0xc1: {  	v8 =	vmul.f32 v8, v16;
	v51 =	vld.idx.msk [tilespmem:v34+s14+$0x0], $0xffff;
	v9 =	vmul.f32 v9, v17;
	v7 =	vadd.f32 v7, v35  }
0xc2: {  	v10 =	vmul.f32 v10, v21;
	v52 =	vld.idx.msk [tilespmem:v30+s14+$0x0], $0xffff;
	[tilespmem:s28+$0x20] =	vst v37;
	v5 =	vadd.f32 v5, v31  }
0xc3: {  	v56 =	vld.idx.msk [tilespmem:v23+s14+$0x0], $0xffff;
	v6 =	vadd.f32 v6, v19;
	[tilespmem:s25+$0xFFFFFFD0] =	vst v7;
	v7 =	vmul.f32 v33, v45  }
0xc4: {  	v40 =	vcvt.s32.f32 v40;
	v29 =	vsub.f32 v29, v44;
	v8 =	vadd.f32 v8, v20;
	[tilespmem:s25+$0xFFFFFFE0] =	vst v5;
	v5 =	vld.idx.msk [tilespmem:v32+s14+$0x0], $0xffff  }
0xc5: {  	v55 =	vcvt.s32.f32 v38;
	v58 =	vld.idx.msk [tilespmem:v22+s14+$0x0], $0xffff;
	v27 =	vsub.f32 v27, v41;
	[tilespmem:s25+$0xFFFFFFF0] =	vst v6;
	v7 =	vadd.f32 v7, v48  }
0xc6: {  	v44 =	vcvt.s32.f32 v39;
	v53 =	vadd.f32 v9, v18;
	v6 =	vld.idx.msk [tilespmem:v28+s14+$0x0], $0xffff;
	[tilespmem:s25+$0x0] =	vst v8;
	v54 =	vmul.f32 v24, v46  }
0xc7: {  	v26 =	vsub.f32 v26, v40;
	v57 =	vmul.f32 v29, v47;
	[tilespmem:s26+$0xFFFFFFC0] =	vst v7;
	v7 =	vadd.f32 v10, v11  }
0xc8: {  	v25 =	vsub.f32 v25, v44;
	[tilespmem:s25+$0x10] =	vst v53;
	v60 =	vmul.f32 v27, v63;
	v59 =	vadd.f32 v54, v51  }
0xc9: {  	v12 =	vsub.f32 v15, v55;
	v5 =	vadd.f32 v57, v5;
	[tilespmem:s25+$0x20] =	vst v7;
	v7 =	vmul.f32 v26, v43  }
0xca: {  	v61 =	vmul.f32 v25, v49;
	v62 =	vadd.f32 v60, v52;
	[tilespmem:s26+$0xFFFFFFD0] =	vst v59  }
0xcb: {  	v63 =	vmul.f32 v12, v50;
	[tilespmem:s26+$0xFFFFFFE0] =	vst v5;
	v5 =	vadd.f32 v7, v6  }
0xcc: {  	[tilespmem:s26+$0xFFFFFFF0] =	vst v62;
	s25 =	sor.u32 s7, s24;
	v6 =	vadd.f32 v61, v56  }
0xcd: {  	s25 =	sshrl.u32 s25, $0x3;
	[tilespmem:s26+$0x0] =	vst v5;
	v5 =	vadd.f32 v63, v58  }
0xce: {  	s29 =	simm.s32 $0x8000;
	s28 =	sadd.s32 s6, s25;
	[tilespmem:s26+$0x10] =	vst v6  }
0xcf: {  	s30 =	simm.s32 $0x8100;
	s31 =	sadd.s32 $0x0, s28;
	[tilespmem:s26+$0x20] =	vst v5;
	s26 =	simm.s32 $0x10  }
.LBB2_9:
0xd0: {  	[hbm4b:s31+s8] =	stream.linear.scatter [tilespmem:s29], [sflag:$0x3], $0x80, $0x38;
	[tilespmem:$0x14500] =	vst v63  }
0xd1: {  	s31 =	smov.u32 s26;
	s29 =	smov.u32 s30;
	p1 =	sne.s32 s26, $0x7F0  }
.Ltmp5:
0xd2: {  	s26 =	sadd.s32 $0x10, s26;
	(pc) =	sbr.rel @p1 .LBB2_9-.Ltmp5, $2  }
0xd3: {  	_ =	sdelay $0x2  }
0xd4: {  	s30 =	sadd.s32 $0x100, s30;
	s31 =	sadd.s32 s31, s28  }
0xd5: {  	p1 =	sne.s32 s23, $0xF  }
.Ltmp6:
0xd6: {  	_ = 	snop;
	(pc) =	sbr.rel @p1 .LBB2_12-.Ltmp6, $2  }
0xd7: {  	_ =	sdelay $0x2  }
0xd8: {  	[hbm4b:s31+s8] =	stream.linear.scatter [tilespmem:s29], [sflag:$0x3], $0x80, $0x38;
	[tilespmem:$0x14500] =	vst v63  }
.Ltmp7:
0xd9: {  	(pc) =	sbr.rel .LBB2_15-.Ltmp7, $4  }
0xda: {  	_ = 	snop  }
0xdb: {  	_ =	swait.ge [sflag:s19], $0x4000  }
0xdc: {  	[sflag:s19] =	ssyncset.done $0x0  }
0xdd: {  	[sflag:s19] =	ssyncadd.s32 $0xFFFFC000  }
.LBB2_12:
0xde: {  	s26 =	sadd.s32 s24, s11  }
0xdf: {  	s26 =	sshrl.u32 s26, $0x3  }
0xe0: {  	s28 =	simm.s32 $0x0;
	s26 =	sadd.s32 s0, s26  }
0xe1: {  	s29 =	simm.s32 $0x10;
	s30 =	simm.s32 $0x100;
	s31 =	sadd.s32 $0x0, s26  }
.LBB2_13:
0xe2: {  	[tilespmem:s28], [sflag:$0x1] =	stream.linear.gather [hbm4b:s31+s8], $0x80, $0x38;
	[tilespmem:$0x14500] =	vst v63  }
0xe3: {  	s31 =	smov.u32 s29;
	s28 =	smov.u32 s30;
	p1 =	sne.s32 s29, $0x7F0  }
.Ltmp8:
0xe4: {  	s29 =	sadd.s32 $0x10, s29;
	(pc) =	sbr.rel @p1 .LBB2_13-.Ltmp8, $2  }
0xe5: {  	_ =	sdelay $0x2  }
0xe6: {  	s30 =	sadd.s32 $0x100, s30;
	s31 =	sadd.s32 s31, s26  }
.Ltmp9:
0xe7: {  	(pc) =	sbr.rel @p0 .LBB2_16-.Ltmp9, $4  }
0xe8: {  	[tilespmem:s28], [sflag:$0x1] =	stream.linear.gather [hbm4b:s31+s8], $0x80, $0x38;
	[tilespmem:$0x14500] =	vst v63  }
0xe9: {  	_ =	swait.ge [sflag:s19], $0x4000  }
0xea: {  	[sflag:s19] =	ssyncset.done $0x0  }
0xeb: {  	[sflag:s19] =	ssyncadd.s32 $0xFFFFC000  }
.LBB2_15:
0xec: {  	_ =	swait.ge [sflag:s20], $0x4000  }
0xed: {  	[sflag:s20] =	ssyncset.done $0x0  }
0xee: {  	[sflag:s20] =	ssyncadd.s32 $0xFFFFC000  }
.LBB2_16:
0xef: {  	s26 =	simm.s32 $0xF0  }
0xf0: {  	v5 =	vld [tilespmem:s26+$0x0]  }
0xf1: {  	v6 =	vld [tilespmem:s26+$0xFFFFFFA0]  }
0xf2: {  	v7 =	vld [tilespmem:s26+$0xFFFFFFB0]  }
0xf3: {  	v8 =	vld [tilespmem:s26+$0xFFFFFFC0]  }
0xf4: {  	v9 =	vld [tilespmem:s26+$0xFFFFFFD0]  }
0xf5: {  	v10 =	vld [tilespmem:s26+$0xFFFFFFE0]  }
0xf6: {  	v11 =	vld [tilespmem:s26+$0xFFFFFFF0]  }
0xf7: {  	v12 =	vld [tilespmem:s26+$0xFFFFFF90];
	_ =	sdelay $0x1  }
0xf8: {  	v5 =	vmax.f32 v5, v1  }
0xf9: {  	v6 =	vmax.f32 v6, v1;
	v7 =	vmax.f32 v7, v1;
	v8 =	vmax.f32 v8, v1  }
0xfa: {  	v9 =	vmax.f32 v9, v1;
	v10 =	vmax.f32 v10, v1;
	v11 =	vmax.f32 v11, v1  }
0xfb: {  	v12 =	vmax.f32 v12, v1;
	v5 =	vmin.f32 v5, v2;
	v6 =	vmin.f32 v6, v2  }
0xfc: {  	v7 =	vmin.f32 v7, v2;
	v8 =	vmin.f32 v8, v2;
	v9 =	vmin.f32 v9, v2  }
0xfd: {  	v10 =	vmin.f32 v10, v2;
	v5 =	vmul.f32 v5, v3;
	v6 =	vmul.f32 v6, v3  }
0xfe: {  	v12 =	vmin.f32 v12, v2;
	v7 =	vmul.f32 v7, v3;
	v8 =	vmul.f32 v8, v3  }
0xff: {  	v11 =	vmin.f32 v11, v2;
	v9 =	vmul.f32 v9, v3;
	v12 =	vmul.f32 v12, v3  }
0x100: {  	v10 =	vmul.f32 v10, v3;
	v5 =	vadd.f32 v5, v4;
	v6 =	vadd.f32 v6, v4  }
0x101: {  	v11 =	vmul.f32 v11, v3;
	v16 =	vadd.f32 v12, v4;
	v7 =	vadd.f32 v7, v4  }
0x102: {  	v8 =	vadd.f32 v8, v4;
	v9 =	vadd.f32 v9, v4;
	v13 =	vtrunc.f32 v5  }
0x103: {  	v10 =	vadd.f32 v10, v4;
	v12 =	vtrunc.f32 v6;
	v15 =	vtrunc.f32 v16  }
0x104: {  	v17 =	vadd.f32 v11, v4;
	v11 =	vtrunc.f32 v7;
	v18 =	vtrunc.f32 v8  }
0x105: {  	v19 =	vtrunc.f32 v9;
	v20 =	vtrunc.f32 v10  }
0x106: {  	v13 =	vcvt.f32.s32 v13;
	v21 =	vcvt.f32.s32 v15  }
0x107: {  	v15 =	vtrunc.f32 v17;
	v23 =	vcvt.f32.s32 v12  }
0x108: {  	v18 =	vcvt.f32.s32 v18;
	v19 =	vcvt.f32.s32 v19  }
0x109: {  	v25 =	vcvt.f32.s32 v15;
	v14 =	vshll.u32 v13, $0x4;
	v12 =	vcvt.s32.f32 v13  }
0x10a: {  	s26 =	simm.s32 $0x1F0;
	v13 =	vshll.u32 v21, $0x4;
	v21 =	vcvt.s32.f32 v21;
	v14 =	vor.u32 v0, v14  }
0x10b: {  	v30 =	vld [tilespmem:s26+$0x0];
	v15 =	vshll.u32 v18, $0x4;
	v18 =	vcvt.s32.f32 v18;
	v5 =	vsub.f32 v5, v12  }
0x10c: {  	v12 =	vshll.u32 v23, $0x4;
	v23 =	vcvt.s32.f32 v23;
	v16 =	vsub.f32 v16, v21;
	v21 =	vld [tilespmem:s26+$0xFFFFFFD0]  }
0x10d: {  	v24 =	vcvt.f32.s32 v11;
	v20 =	vcvt.f32.s32 v20;
	v31 =	vsub.f32 v8, v18;
	v8 =	vld [tilespmem:s26+$0xFFFFFF90]  }
0x10e: {  	v26 =	vshll.u32 v19, $0x4;
	v19 =	vcvt.s32.f32 v19;
	v23 =	vsub.f32 v6, v23;
	v6 =	vld [tilespmem:s26+$0xFFFFFFE0]  }
0x10f: {  	v27 =	vshll.u32 v25, $0x4;
	v15 =	vor.u32 v0, v15;
	v25 =	vcvt.s32.f32 v25;
	v22 =	vld.idx.msk [tilespmem:v14+s16+$0x0], $0xffff  }
0x110: {  	v19 =	vsub.f32 v9, v19;
	v11 =	vld.idx.msk [tilespmem:v14+s14+$0x0], $0xffff;
	v14 =	vshll.u32 v24, $0x4;
	v24 =	vcvt.s32.f32 v24  }
0x111: {  	v28 =	vor.u32 v0, v12;
	v29 =	vor.u32 v0, v14;
	v14 =	vor.u32 v0, v26  }
0x112: {  	v21 =	vmax.f32 v21, v1;
	v8 =	vmax.f32 v8, v1;
	v24 =	vsub.f32 v7, v24  }
0x113: {  	v7 =	vmax.f32 v30, v1;
	v21 =	vmin.f32 v21, v2;
	v8 =	vmin.f32 v8, v2  }
0x114: {  	v26 =	vld [tilespmem:s26+$0xFFFFFFB0];
	v7 =	vmin.f32 v7, v2;
	v6 =	vmax.f32 v6, v1;
	v21 =	vmul.f32 v21, v3  }
0x115: {  	v30 =	vld [tilespmem:s26+$0xFFFFFFF0];
	v8 =	vmul.f32 v8, v3;
	v7 =	vmul.f32 v7, v3;
	v6 =	vmin.f32 v6, v2  }
0x116: {  	v5 =	vmul.f32 v5, v22;
	v22 =	vor.u32 v0, v13;
	v13 =	vshll.u32 v20, $0x4  }
0x117: {  	v20 =	vcvt.s32.f32 v20;
	v12 =	vor.u32 v0, v13;
	v13 =	vor.u32 v0, v27;
	v27 =	vld [tilespmem:s26+$0xFFFFFFC0]  }
0x118: {  	v6 =	vmul.f32 v6, v3;
	v8 =	vadd.f32 v8, v4;
	v21 =	vadd.f32 v21, v4  }
0x119: {  	v18 =	vmax.f32 v26, v1;
	v7 =	vadd.f32 v7, v4;
	v11 =	vadd.f32 v5, v11  }
0x11a: {  	v5 =	vld [tilespmem:s26+$0xFFFFFFA0];
	v18 =	vmin.f32 v18, v2;
	v30 =	vmax.f32 v30, v1;
	v59 =	vtrunc.f32 v8  }
0x11b: {  	v35 =	vadd.f32 v6, v4;
	v9 =	vtrunc.f32 v21;
	v20 =	vsub.f32 v10, v20  }
0x11c: {  	v18 =	vmul.f32 v18, v3;
	v26 =	vmax.f32 v27, v1;
	v27 =	vtrunc.f32 v7  }
0x11d: {  	v44 =	vld.idx.msk [tilespmem:v14+s16+$0x0], $0xffff;
	v30 =	vmin.f32 v30, v2;
	v10 =	vcvt.f32.s32 v59;
	v27 =	vcvt.f32.s32 v27  }
0x11e: {  	v17 =	vsub.f32 v17, v25;
	v9 =	vcvt.f32.s32 v9;
	v30 =	vmul.f32 v30, v3  }
0x11f: {  	v37 =	vtrunc.f32 v35;
	v5 =	vmax.f32 v5, v1;
	v33 =	vshll.u32 v27, $0x4  }
0x120: {  	s26 =	simm.s32 $0x2F0;
	v32 =	vld.idx.msk [tilespmem:v22+s16+$0x0], $0xffff;
	v34 =	vadd.f32 v18, v4;
	v5 =	vmin.f32 v5, v2;
	v33 =	vor.u32 v0, v33  }
0x121: {  	v52 =	vld [tilespmem:s26+$0xFFFFFFA0];
	v61 =	vshll.u32 v10, $0x4;
	v39 =	vcvt.f32.s32 v37;
	v5 =	vmul.f32 v5, v3  }
0x122: {  	v22 =	vld.idx.msk [tilespmem:v22+s14+$0x0], $0xffff;
	v30 =	vadd.f32 v30, v4;
	v19 =	vmul.f32 v19, v44;
	v26 =	vmin.f32 v26, v2  }
0x123: {  	v45 =	vld.idx.msk [tilespmem:v12+s16+$0x0], $0xffff;
	v6 =	vtrunc.f32 v34;
	v26 =	vmul.f32 v26, v3;
	v5 =	vadd.f32 v5, v4  }
0x124: {  	v43 =	vshll.u32 v9, $0x4;
	v49 =	vld.idx.msk [tilespmem:v13+s16+$0x0], $0xffff;
	v60 =	vtrunc.f32 v30;
	v6 =	vcvt.f32.s32 v6  }
0x125: {  	v43 =	vor.u32 v0, v43;
	v16 =	vmul.f32 v16, v32;
	v18 =	vtrunc.f32 v5;
	v25 =	vld.idx.msk [tilespmem:v33+s16+$0x0], $0xffff  }
0x126: {  	v63 =	vshll.u32 v39, $0x4;
	v38 =	vcvt.f32.s32 v18;
	v18 =	vcvt.s32.f32 v27  }
0x127: {  	v26 =	vadd.f32 v26, v4;
	v62 =	vshll.u32 v6, $0x4;
	v32 =	vcvt.f32.s32 v60;
	v33 =	vld.idx.msk [tilespmem:v33+s14+$0x0], $0xffff  }
0x128: {  	v41 =	vld.idx.msk [tilespmem:v15+s16+$0x0], $0xffff;
	v6 =	vcvt.s32.f32 v6;
	v48 =	vor.u32 v0, v62;
	v7 =	vsub.f32 v7, v18  }
0x129: {  	v55 =	vld.idx.msk [tilespmem:v15+s14+$0x0], $0xffff;
	v20 =	vmul.f32 v20, v45;
	v45 =	vmul.f32 v17, v49;
	v17 =	vmax.f32 v52, v1  }
0x12a: {  	v40 =	vld.idx.msk [tilespmem:v29+s16+$0x0], $0xffff;
	v36 =	vtrunc.f32 v26;
	v22 =	vadd.f32 v16, v22;
	v7 =	vmul.f32 v7, v25  }
0x12b: {  	v46 =	vshll.u32 v32, $0x4;
	v17 =	vmin.f32 v17, v2;
	v16 =	vcvt.f32.s32 v36;
	v27 =	vld.idx.msk [tilespmem:v28+s16+$0x0], $0xffff  }
0x12c: {  	v37 =	vor.u32 v0, v46;
	v46 =	vld [tilespmem:s26+$0x0];
	v50 =	vadd.f32 v7, v33;
	v7 =	vcvt.s32.f32 v10  }
0x12d: {  	v29 =	vld.idx.msk [tilespmem:v29+s14+$0x0], $0xffff;
	v17 =	vmul.f32 v17, v3;
	v42 =	vshll.u32 v16, $0x4;
	v10 =	vcvt.s32.f32 v38  }
0x12e: {  	v28 =	vld.idx.msk [tilespmem:v28+s14+$0x0], $0xffff;
	v16 =	vcvt.s32.f32 v16;
	v18 =	vshll.u32 v38, $0x4;
	v51 =	vsub.f32 v8, v7  }
0x12f: {  	v53 =	vld [tilespmem:s26+$0xFFFFFFB0];
	v8 =	vcvt.s32.f32 v9;
	v7 =	vsub.f32 v5, v10;
	v5 =	vsub.f32 v34, v6  }
0x130: {  	v6 =	vsub.f32 v26, v16;
	v16 =	vmul.f32 v23, v27;
	v23 =	vmul.f32 v24, v40;
	v24 =	vld [tilespmem:s26+$0xFFFFFFD0]  }
0x131: {  	v25 =	vor.u32 v0, v61;
	v10 =	vcvt.s32.f32 v32;
	v26 =	vld [tilespmem:s26+$0xFFFFFFE0];
	v27 =	vmax.f32 v46, v1  }
0x132: {  	v9 =	vcvt.s32.f32 v39;
	v27 =	vmin.f32 v27, v2;
	v8 =	vsub.f32 v21, v8;
	v21 =	vld [tilespmem:s26+$0xFFFFFFC0]  }
0x133: {  	v10 =	vsub.f32 v30, v10;
	v28 =	vadd.f32 v16, v28;
	v16 =	vmul.f32 v31, v41;
	v30 =	vld [tilespmem:s26+$0xFFFFFFF0]  }
0x134: {  	v23 =	vadd.f32 v23, v29;
	v29 =	vld [tilespmem:s26+$0xFFFFFF90];
	v31 =	vmax.f32 v53, v1;
	v27 =	vmul.f32 v27, v3  }
0x135: {  	v42 =	vor.u32 v0, v42;
	v47 =	vor.u32 v0, v18;
	v31 =	vmin.f32 v31, v2  }
0x136: {  	v9 =	vsub.f32 v35, v9;
	v32 =	vadd.f32 v27, v4;
	v27 =	vmul.f32 v31, v3  }
0x137: {  	v34 =	vadd.f32 v16, v55;
	v24 =	vmax.f32 v24, v1;
	v26 =	vmax.f32 v26, v1  }
0x138: {  	v31 =	vld.idx.msk [tilespmem:v25+s16+$0x0], $0xffff;
	v24 =	vmin.f32 v24, v2;
	v26 =	vmin.f32 v26, v2;
	v54 =	vtrunc.f32 v32  }
0x139: {  	v56 =	vld.idx.msk [tilespmem:v14+s14+$0x0], $0xffff;
	v21 =	vmax.f32 v21, v1;
	v30 =	vmax.f32 v30, v1;
	v15 =	vmax.f32 v29, v1  }
0x13a: {  	v57 =	vmul.f32 v26, v3;
	v21 =	vmin.f32 v21, v2;
	v29 =	vmin.f32 v30, v2  }
0x13b: {  	v30 =	vcvt.f32.s32 v54;
	v14 =	vmin.f32 v15, v2;
	v15 =	vmul.f32 v21, v3  }
0x13c: {  	v38 =	vld.idx.msk [tilespmem:v12+s14+$0x0], $0xffff;
	v21 =	vmul.f32 v24, v3;
	v12 =	vmul.f32 v14, v3;
	v24 =	vadd.f32 v17, v4  }
0x13d: {  	v46 =	vld.idx.msk [tilespmem:v13+s14+$0x0], $0xffff;
	v13 =	vmul.f32 v29, v3;
	v29 =	vadd.f32 v27, v4;
	v31 =	vmul.f32 v51, v31  }
0x13e: {  	v58 =	vld.idx.msk [tilespmem:v25+s14+$0x0], $0xffff;
	v25 =	vadd.f32 v57, v4;
	v51 =	vadd.f32 v19, v56;
	v14 =	vshll.u32 v30, $0x4  }
0x13f: {  	v17 =	vor.u32 v0, v14;
	v33 =	vadd.f32 v12, v4;
	v59 =	vtrunc.f32 v24  }
0x140: {  	v35 =	vld.idx.msk [tilespmem:v47+s14+$0x0], $0xffff;
	v27 =	vadd.f32 v15, v4;
	v61 =	vtrunc.f32 v29;
	v60 =	vtrunc.f32 v25  }
0x141: {  	v16 =	vld.idx.msk [tilespmem:v43+s16+$0x0], $0xffff;
	v26 =	vadd.f32 v21, v4;
	v54 =	vcvt.f32.s32 v59;
	v56 =	vcvt.f32.s32 v61  }
0x142: {  	v14 =	vld.idx.msk [tilespmem:v47+s16+$0x0], $0xffff;
	v15 =	vadd.f32 v13, v4;
	v39 =	vcvt.f32.s32 v60;
	v21 =	vtrunc.f32 v33  }
0x143: {  	s29 =	simm.s32 $0x80F0;
	v18 =	vor.u32 v0, v63;
	v12 =	vld.idx.msk [tilespmem:v48+s16+$0x0], $0xffff;
	v62 =	vtrunc.f32 v27;
	v63 =	vtrunc.f32 v26  }
0x144: {  	[tilespmem:s29+$0x0] =	vst v11;
	v55 =	vadd.f32 v20, v38;
	v11 =	vtrunc.f32 v15;
	v53 =	vcvt.f32.s32 v21;
	v19 =	vld.idx.msk [tilespmem:v17+s16+$0x0], $0xffff  }
0x145: {  	[tilespmem:s29+$0xFFFFFF90] =	vst v22;
	v13 =	vld.idx.msk [tilespmem:v42+s16+$0x0], $0xffff;
	v52 =	vadd.f32 v31, v58;
	v21 =	vcvt.s32.f32 v30;
	v41 =	vcvt.f32.s32 v62  }
0x146: {  	s26 =	simm.s32 $0x81F0;
	[tilespmem:s29+$0xFFFFFFA0] =	vst v28;
	v40 =	vcvt.f32.s32 v63;
	v28 =	vshll.u32 v54, $0x4;
	v61 =	vshll.u32 v56, $0x4;
	v30 =	vld.idx.msk [tilespmem:v17+s14+$0x0], $0xffff  }
0x147: {  	[tilespmem:s26+$0x0] =	vst v50;
	v31 =	vld.idx.msk [tilespmem:v48+s14+$0x0], $0xffff;
	v38 =	vcvt.f32.s32 v11;
	v44 =	vcvt.s32.f32 v56;
	v20 =	vsub.f32 v32, v21  }
0x148: {  	[tilespmem:s29+$0xFFFFFFC0] =	vst v34;
	v34 =	vor.u32 v0, v28;
	v17 =	vld.idx.msk [tilespmem:v18+s16+$0x0], $0xffff;
	v22 =	vshll.u32 v53, $0x4;
	v11 =	vshll.u32 v41, $0x4  }
0x149: {  	[tilespmem:s29+$0xFFFFFFB0] =	vst v23;
	v21 =	vld.idx.msk [tilespmem:v37+s16+$0x0], $0xffff;
	v23 =	vshll.u32 v40, $0x4;
	v63 =	vshll.u32 v38, $0x4;
	v20 =	vmul.f32 v20, v19  }
0x14a: {  	[tilespmem:s29+$0xFFFFFFE0] =	vst v55;
	v32 =	vor.u32 v0, v61;
	v18 =	vld.idx.msk [tilespmem:v18+s14+$0x0], $0xffff;
	v41 =	vcvt.s32.f32 v41;
	v36 =	vor.u32 v0, v22  }
0x14b: {  	[tilespmem:s29+$0xFFFFFFD0] =	vst v51;
	v22 =	vshll.u32 v39, $0x4;
	v28 =	vor.u32 v0, v23;
	v19 =	vld.idx.msk [tilespmem:v42+s14+$0x0], $0xffff;
	v62 =	vadd.f32 v20, v30  }
0x14c: {  	s28 =	simm.s32 $0x82F0;
	[tilespmem:s26+$0xFFFFFF90] =	vst v52;
	v23 =	vor.u32 v0, v22;
	v22 =	vor.u32 v0, v63;
	v20 =	vld.idx.msk [tilespmem:v43+s14+$0x0], $0xffff;
	v43 =	vcvt.s32.f32 v53  }
0x14d: {  	s30 =	simm.s32 $0x100;
	s31 =	simm.s32 $0x3F0;
	v42 =	vcvt.s32.f32 v54;
	v30 =	vor.u32 v0, v11;
	v11 =	vld.idx.msk [tilespmem:v37+s14+$0x0], $0xffff;
	v37 =	vadd.f32 v45, v46;
	[tilespmem:s28+$0x0] =	vst v62  }
.LBB2_17:
0x14e: {  	v45 =	vld [tilespmem:s31+$0x0];
	s30 =	sadd.s32 $0x80, s30;
	v43 =	vsub.f32 v33, v43;
	v33 =	vcvt.s32.f32 v40;
	v39 =	vcvt.s32.f32 v39  }
0x14f: {  	v24 =	vsub.f32 v24, v42;
	v38 =	vcvt.s32.f32 v38;
	v40 =	vld [tilespmem:s31+$0xFFFFFFA0];
	p0 =	slt.u32 s30, $0x3F80;
	v29 =	vsub.f32 v29, v44;
	[tilespmem:s29+$0xFFFFFFF0] =	vst v37;
	s29 =	smov.u32 s26;
	s26 =	smov.u32 s28  }
0x150: {  	v14 =	vmul.f32 v7, v14;
	v27 =	vsub.f32 v27, v41;
	v42 =	vld [tilespmem:s31+$0xFFFFFFB0];
	v26 =	vsub.f32 v26, v33  }
0x151: {  	v12 =	vmul.f32 v5, v12;
	v25 =	vsub.f32 v25, v39;
	v15 =	vsub.f32 v15, v38;
	v7 =	vmovc v24;
	v33 =	vld [tilespmem:s31+$0xFFFFFFC0]  }
0x152: {  	v14 =	vadd.f32 v14, v35;
	v38 =	vmul.f32 v6, v13;
	v39 =	vmul.f32 v8, v16;
	v5 =	vmovc v29;
	v24 =	vld [tilespmem:s31+$0xFFFFFFD0]  }
0x153: {  	v41 =	vmul.f32 v9, v17;
	v37 =	vmul.f32 v10, v21;
	v6 =	vmovc v27;
	v13 =	vld [tilespmem:s31+$0xFFFFFFE0];
	v29 =	vmax.f32 v45, v1  }
0x154: {  	v16 =	vadd.f32 v12, v31;
	v9 =	vmax.f32 v40, v1;
	v10 =	vld [tilespmem:s31+$0xFFFFFFF0];
	v21 =	vmin.f32 v29, v2;
	[tilespmem:s29+$0xFFFFFFA0] =	vst v14  }
0x155: {  	v8 =	vmovc v26;
	v17 =	vld [tilespmem:s31+$0xFFFFFF90];
	v9 =	vmin.f32 v9, v2;
	v12 =	vmax.f32 v42, v1;
	v14 =	vmul.f32 v21, v3  }
0x156: {  	v26 =	vmul.f32 v9, v3;
	v9 =	vmin.f32 v12, v2;
	v12 =	vmax.f32 v33, v1;
	v27 =	vld.idx.msk [tilespmem:v36+s16+$0x0], $0xffff  }
0x157: {  	v21 =	vmin.f32 v12, v2;
	v12 =	vmax.f32 v24, v1;
	v42 =	vadd.f32 v14, v4;
	v14 =	vld.idx.msk [tilespmem:v34+s16+$0x0], $0xffff  }
0x158: {  	v29 =	vmul.f32 v9, v3;
	v24 =	vmin.f32 v12, v2;
	v44 =	vmax.f32 v13, v1;
	v12 =	vld.idx.msk [tilespmem:v32+s16+$0x0], $0xffff  }
0x159: {  	v31 =	vmin.f32 v44, v2;
	v35 =	vmax.f32 v10, v1;
	v10 =	vtrunc.f32 v42;
	v13 =	vld.idx.msk [tilespmem:v30+s16+$0x0], $0xffff;
	[tilespmem:s29+$0xFFFFFFB0] =	vst v16  }
0x15a: {  	v9 =	vmovc v25;
	v17 =	vmax.f32 v17, v1;
	v33 =	vmin.f32 v35, v2;
	v40 =	vcvt.f32.s32 v10;
	v16 =	vld.idx.msk [tilespmem:v28+s16+$0x0], $0xffff  }
0x15b: {  	v25 =	vmul.f32 v21, v3;
	v44 =	vmul.f32 v24, v3;
	v46 =	vmin.f32 v17, v2;
	v17 =	vld.idx.msk [tilespmem:v23+s16+$0x0], $0xffff  }
0x15c: {  	v45 =	vmul.f32 v31, v3;
	v35 =	vmul.f32 v46, v3;
	v31 =	vshll.u32 v40, $0x4;
	v21 =	vld.idx.msk [tilespmem:v22+s16+$0x0], $0xffff;
	v10 =	vmovc v15  }
0x15d: {  	v24 =	vadd.f32 v26, v4;
	v15 =	vmul.f32 v33, v3;
	v46 =	vor.u32 v0, v31;
	v36 =	vld.idx.msk [tilespmem:v36+s14+$0x0], $0xffff  }
0x15e: {  	v29 =	vadd.f32 v29, v4;
	v43 =	vmul.f32 v43, v27;
	v33 =	vadd.f32 v35, v4;
	v35 =	vld.idx.msk [tilespmem:v34+s14+$0x0], $0xffff  }
0x15f: {  	v27 =	vadd.f32 v25, v4;
	v26 =	vadd.f32 v44, v4;
	v34 =	vtrunc.f32 v24;
	v31 =	vld.idx.msk [tilespmem:v32+s14+$0x0], $0xffff  }
0x160: {  	v25 =	vadd.f32 v45, v4;
	v15 =	vadd.f32 v15, v4;
	v32 =	vtrunc.f32 v33;
	v30 =	vld.idx.msk [tilespmem:v30+s14+$0x0], $0xffff  }
0x161: {  	v19 =	vadd.f32 v38, v19;
	v44 =	vtrunc.f32 v29;
	v45 =	vtrunc.f32 v27;
	v28 =	vld.idx.msk [tilespmem:v28+s14+$0x0], $0xffff  }
0x162: {  	v20 =	vadd.f32 v39, v20;
	v38 =	vtrunc.f32 v26;
	v47 =	vtrunc.f32 v25;
	v48 =	vld.idx.msk [tilespmem:v46+s16+$0x0], $0xffff  }
0x163: {  	v49 =	vcvt.f32.s32 v32;
	v32 =	vtrunc.f32 v15;
	v36 =	vadd.f32 v43, v36;
	v23 =	vld.idx.msk [tilespmem:v23+s14+$0x0], $0xffff;
	[tilespmem:s29+$0xFFFFFFC0] =	vst v19  }
0x164: {  	v18 =	vadd.f32 v41, v18;
	v51 =	vcvt.s32.f32 v40;
	v50 =	vcvt.f32.s32 v34;
	v43 =	vld.idx.msk [tilespmem:v46+s14+$0x0], $0xffff;
	[tilespmem:s29+$0xFFFFFFD0] =	vst v20  }
0x165: {  	v41 =	vcvt.f32.s32 v44;
	v45 =	vcvt.f32.s32 v45;
	v34 =	vshll.u32 v49, $0x4;
	[tilespmem:s28+$0xFFFFFF90] =	vst v36;
	v46 =	vld.idx.msk [tilespmem:v22+s14+$0x0], $0xffff  }
0x166: {  	v40 =	vcvt.f32.s32 v38;
	v39 =	vcvt.f32.s32 v47;
	v22 =	vsub.f32 v42, v51;
	v19 =	vmovc v30;
	[tilespmem:s29+$0xFFFFFFE0] =	vst v18  }
0x167: {  	v38 =	vcvt.f32.s32 v32;
	v30 =	vshll.u32 v50, $0x4;
	v42 =	vshll.u32 v41, $0x4;
	v20 =	vmovc v28  }
0x168: {  	v44 =	vshll.u32 v40, $0x4;
	v28 =	vshll.u32 v45, $0x4;
	v22 =	vmul.f32 v22, v48  }
.Ltmp10:
0x169: {  	v47 =	vshll.u32 v39, $0x4;
	v36 =	vor.u32 v0, v34;
	v48 =	vshll.u32 v38, $0x4;
	v18 =	vmovc v23;
	(pc) =	sbr.rel @p0 .LBB2_17-.Ltmp10, $4  }
0x16a: {  	v34 =	vor.u32 v0, v30;
	v32 =	vor.u32 v0, v42;
	v51 =	vadd.f32 v22, v43  }
0x16b: {  	s28 =	sadd.s32 $0x100, s28;
	v30 =	vor.u32 v0, v28;
	v28 =	vor.u32 v0, v44;
	v23 =	vor.u32 v0, v47  }
0x16c: {  	v42 =	vcvt.s32.f32 v50;
	v43 =	vcvt.s32.f32 v49;
	v22 =	vor.u32 v0, v48;
	[tilespmem:s28+$0x0] =	vst v51  }
0x16d: {  	v37 =	vadd.f32 v37, v11;
	s31 =	sadd.s32 $0x100, s31;
	v44 =	vcvt.s32.f32 v41;
	v41 =	vcvt.s32.f32 v45;
	v11 =	vmovc v46  }
0x16e: {  	_ =	sdelay $0x3  }
0x16f: {  	v45 =	vld.idx.msk [tilespmem:v36+s16+$0x0], $0xffff  }
0x170: {  	v46 =	vld.idx.msk [tilespmem:v34+s16+$0x0], $0xffff  }
0x171: {  	v47 =	vld.idx.msk [tilespmem:v32+s16+$0x0], $0xffff  }
0x172: {  	v63 =	vld.idx.msk [tilespmem:v30+s16+$0x0], $0xffff  }
0x173: {  	v33 =	vsub.f32 v33, v43;
	v43 =	vld.idx.msk [tilespmem:v28+s16+$0x0], $0xffff  }
0x174: {  	v48 =	vld.idx.msk [tilespmem:v36+s14+$0x0], $0xffff  }
0x175: {  	v7 =	vmul.f32 v7, v14;
	v49 =	vld.idx.msk [tilespmem:v23+s16+$0x0], $0xffff  }
0x176: {  	v24 =	vsub.f32 v24, v42;
	v5 =	vmul.f32 v5, v12;
	v6 =	vmul.f32 v6, v13;
	v50 =	vld.idx.msk [tilespmem:v22+s16+$0x0], $0xffff  }
0x177: {  	v8 =	vmul.f32 v8, v16;
	v51 =	vld.idx.msk [tilespmem:v34+s14+$0x0], $0xffff;
	v9 =	vmul.f32 v9, v17;
	v7 =	vadd.f32 v7, v35  }
0x178: {  	v10 =	vmul.f32 v10, v21;
	v52 =	vld.idx.msk [tilespmem:v30+s14+$0x0], $0xffff;
	[tilespmem:s29+$0xFFFFFFF0] =	vst v37;
	v5 =	vadd.f32 v5, v31  }
0x179: {  	v56 =	vld.idx.msk [tilespmem:v23+s14+$0x0], $0xffff;
	v6 =	vadd.f32 v6, v19;
	[tilespmem:s26+$0xFFFFFFA0] =	vst v7;
	v7 =	vmul.f32 v33, v45  }
0x17a: {  	v40 =	vcvt.s32.f32 v40;
	v29 =	vsub.f32 v29, v44;
	v8 =	vadd.f32 v8, v20;
	[tilespmem:s26+$0xFFFFFFB0] =	vst v5;
	v5 =	vld.idx.msk [tilespmem:v32+s14+$0x0], $0xffff  }
0x17b: {  	v55 =	vcvt.s32.f32 v38;
	v58 =	vld.idx.msk [tilespmem:v22+s14+$0x0], $0xffff;
	v27 =	vsub.f32 v27, v41;
	[tilespmem:s26+$0xFFFFFFC0] =	vst v6;
	v7 =	vadd.f32 v7, v48  }
0x17c: {  	v44 =	vcvt.s32.f32 v39;
	v53 =	vadd.f32 v9, v18;
	v6 =	vld.idx.msk [tilespmem:v28+s14+$0x0], $0xffff;
	[tilespmem:s26+$0xFFFFFFD0] =	vst v8;
	v54 =	vmul.f32 v24, v46  }
0x17d: {  	v26 =	vsub.f32 v26, v40;
	v57 =	vmul.f32 v29, v47;
	[tilespmem:s28+$0xFFFFFF90] =	vst v7;
	v7 =	vadd.f32 v10, v11  }
0x17e: {  	v25 =	vsub.f32 v25, v44;
	[tilespmem:s26+$0xFFFFFFE0] =	vst v53;
	v60 =	vmul.f32 v27, v63;
	v59 =	vadd.f32 v54, v51  }
0x17f: {  	v12 =	vsub.f32 v15, v55;
	v5 =	vadd.f32 v57, v5;
	[tilespmem:s26+$0xFFFFFFF0] =	vst v7;
	v7 =	vmul.f32 v26, v43  }
0x180: {  	v61 =	vmul.f32 v25, v49;
	v62 =	vadd.f32 v60, v52;
	[tilespmem:s28+$0xFFFFFFA0] =	vst v59  }
0x181: {  	v63 =	vmul.f32 v12, v50;
	[tilespmem:s28+$0xFFFFFFB0] =	vst v5;
	v5 =	vadd.f32 v7, v6  }
0x182: {  	[tilespmem:s28+$0xFFFFFFC0] =	vst v62;
	v6 =	vadd.f32 v61, v56  }
0x183: {  	s25 =	sadd.s32 s25, s6;
	[tilespmem:s28+$0xFFFFFFD0] =	vst v5;
	v5 =	vadd.f32 v63, v58  }
0x184: {  	s25 =	sadd.s32 $0x800, s25;
	s29 =	simm.s32 $0x8180;
	[tilespmem:s28+$0xFFFFFFE0] =	vst v6  }
0x185: {  	s30 =	sadd.s32 $0x0, s25;
	s26 =	simm.s32 $0x8080;
	[tilespmem:s28+$0xFFFFFFF0] =	vst v5;
	s28 =	simm.s32 $0x10  }
.LBB2_19:
0x186: {  	[hbm4b:s30+s8] =	stream.linear.scatter [tilespmem:s26], [sflag:$0x4], $0x80, $0x38;
	[tilespmem:$0x14500] =	vst v63  }
0x187: {  	s30 =	smov.u32 s28;
	s26 =	smov.u32 s29;
	p0 =	sne.s32 s28, $0x7F0  }
.Ltmp11:
0x188: {  	s28 =	sadd.s32 $0x10, s28;
	(pc) =	sbr.rel @p0 .LBB2_19-.Ltmp11, $2  }
0x189: {  	_ =	sdelay $0x2  }
0x18a: {  	s29 =	sadd.s32 $0x100, s29;
	s30 =	sadd.s32 s30, s25  }
0x18b: {  	p0 =	seq.s32 s23, $0xF  }
.Ltmp12:
0x18c: {  	_ = 	snop;
	(pc) =	sbr.rel @p0 .LBB2_24-.Ltmp12, $2  }
0x18d: {  	_ =	sdelay $0x2  }
0x18e: {  	[hbm4b:s30+s8] =	stream.linear.scatter [tilespmem:s26], [sflag:$0x4], $0x80, $0x38;
	[tilespmem:$0x14500] =	vst v63  }
0x18f: {  	s24 =	sadd.s32 s24, s12  }
0x190: {  	s24 =	sshrl.u32 s24, $0x3  }
0x191: {  	s25 =	simm.s32 $0x80;
	s24 =	sadd.s32 s0, s24  }
0x192: {  	s26 =	simm.s32 $0x10;
	s28 =	simm.s32 $0x180;
	s29 =	sadd.s32 $0x0, s24  }
.LBB2_22:
0x193: {  	[tilespmem:s25], [sflag:$0x2] =	stream.linear.gather [hbm4b:s29+s8], $0x80, $0x38;
	[tilespmem:$0x14500] =	vst v63  }
0x194: {  	s29 =	smov.u32 s26;
	s25 =	smov.u32 s28;
	p0 =	sne.s32 s26, $0x7F0  }
.Ltmp13:
0x195: {  	s26 =	sadd.s32 $0x10, s26;
	(pc) =	sbr.rel @p0 .LBB2_22-.Ltmp13, $2  }
0x196: {  	_ =	sdelay $0x2  }
0x197: {  	s28 =	sadd.s32 $0x100, s28;
	s29 =	sadd.s32 s29, s24  }
.Ltmp14:
0x198: {  	(pc) =	sbr.rel .LBB2_6-.Ltmp14, $3  }
0x199: {  	_ =	sdelay $0x1  }
0x19a: {  	[tilespmem:s25], [sflag:$0x2] =	stream.linear.gather [hbm4b:s29+s8], $0x80, $0x38;
	[tilespmem:$0x14500] =	vst v63  }
0x19b: {  	s23 =	sadd.s32 $0x1, s23  }
.LBB2_25:
0x19c: {  	_ =	sfence.sel $0x180000  }
0x19d: {  	[bflag:$0x0] =	sbarrier.arrive $0xFFFF  }
0x19e: {  	p0 =	sne.s32 s1, $0x0;
	_ =	strace $0x90000047  }
0x19f: {  	s0 =	sadd.s32 @!p0 $0x100000, s4;
	[bflag:$0x2] =	sbarrier.arrive $0xFFFF  }
0x1a0: {  	[sflag:s0] =	ssyncadd.tile.s32 @!p0 $0x1;
	_ =	shalt  }
.Lfunc_end2:
_tile_overlayer_lowered:
.L_overlay_start_2:
0x1a1: {  	(tag) =	ssettag $0x2  }
0x1a2: {  	s0 =	rddreg [dreg:$0x0];
	s2 =	stileid.u32  }
0x1a3: {  	s1 =	rddreg [dreg:$0x1];
	p0 =	sne.s32 s2, $0x0  }
0x1a4: {  	s3 =	rddreg [dreg:$0x2];
	[bflag:$0x3] =	sbarrier.arrive $0xFFFF;
	s2 =	simm.s32 @!p0 $0x1C05  }
0x1a5: {  	[timem:s3], [sflag:s2] =	dma.local @!p0 [hbm:s0], s1  }
0x1a6: {  	s0 =	simm.s32 @!p0 $0x5  }
0x1a7: {  	_ =	swait.ge @!p0 [sflag:s0], s1  }
0x1a8: {  	s1 =	ssub.s32 @!p0 $0x0, s1;
	[sflag:s0] =	ssyncset.done @!p0 $0x0  }
0x1a9: {  	[sflag:s0] =	ssyncadd.s32 @!p0 s1  }
0x1aa: {  	[bflag:$0x3] =	sbarrier.arrive $0xFFFF  }
0x1ab: {  	_ =	shalt  }

</sc_bundles>
